<compile_context>
chip_gen: v7x
topology: tpu7x:2x2x1
jax: 0.10.2.dev20260603
libtpu: 0.0.44.dev20260713+nightly
codegen_flags: <defaults>
</compile_context>

<pallas_src>
import functools

import jax
import jax.numpy as jnp
from jax import lax
from jax.experimental import pallas as pl
from jax.experimental.pallas import tpu as pltpu
from jax.experimental.pallas import tpu_sc as plsc

F32 = jnp.float32


def _sc_info():
    try:
        info = plsc.get_sparse_core_info()
        return info.num_cores, info.num_subcores, info.num_lanes
    except Exception:
        return 2, 16, 16



def _make_deg_kernel(n_pad, nc, ns, n_chunks, K):
    NW = nc * ns
    ZR = n_pad // ns
    mesh = plsc.VectorSubcoreMesh(
        core_axis_name="c", subcore_axis_name="s", num_cores=nc,
        num_subcores=ns)

    @functools.partial(
        pl.kernel,
        out_type=jax.ShapeDtypeStruct((nc, n_pad), F32),
        mesh=mesh,
        scratch_types=[
            pltpu.VMEM((n_chunks, K), jnp.int32),
            pltpu.VMEM((K,), F32),
            pltpu.VMEM_SHARED((n_pad,), F32),
        ],
    )
    def deg_kernel(col3_hbm, zeros1_hbm, out_hbm, col2d, ones_v, deg_sh):
        cid = lax.axis_index("c")
        sid = lax.axis_index("s")
        wid = sid * nc + cid
        pltpu.sync_copy(zeros1_hbm, deg_sh.at[pl.ds(sid * ZR, ZR)])
        pltpu.sync_copy(col3_hbm.at[wid], col2d)
        for j in range(K // 16):
            ones_v[pl.ds(j * 16, 16)] = jnp.full((16,), 1.0, dtype=F32)
        plsc.subcore_barrier()

        def chunk(i, carry):
            pltpu.sync_copy(ones_v, deg_sh.at[col2d.at[i]], add=True)
            return carry

        lax.fori_loop(0, n_chunks, chunk, 0)
        plsc.subcore_barrier()
        pltpu.sync_copy(deg_sh.at[pl.ds(sid * ZR, ZR)],
                        out_hbm.at[cid, pl.ds(sid * ZR, ZR)])

    return deg_kernel


def _make_agg_kernel(n_pad, d, nc, ns, n_chunks, K):
    ZR = n_pad // ns
    mesh = plsc.VectorSubcoreMesh(
        core_axis_name="c", subcore_axis_name="s", num_cores=nc,
        num_subcores=ns)

    assert n_chunks % 2 == 0
    n2 = n_chunks // 2

    @functools.partial(
        pl.kernel,
        out_type=jax.ShapeDtypeStruct((nc, n_pad, d), F32),
        mesh=mesh,
        scratch_types=[
            pltpu.VMEM((2, K), jnp.int32),
            pltpu.VMEM((2, K), jnp.int32),
            pltpu.VMEM((K, d), F32),
            pltpu.VMEM((K, d), F32),
            pltpu.SemaphoreType.DMA,
            pltpu.SemaphoreType.DMA,
            pltpu.SemaphoreType.DMA,
            pltpu.SemaphoreType.DMA,
            pltpu.VMEM_SHARED((n_pad, d), F32),
        ],
    )
    def agg_kernel(h_hbm, idx4_hbm, zeros2_hbm, out_hbm,
                   idx_a, idx_b, buf_a, buf_b, isa, isb, gsa, gsb, agg_sh):
        cid = lax.axis_index("c")
        sid = lax.axis_index("s")
        wid = sid * nc + cid
        pltpu.sync_copy(zeros2_hbm, agg_sh.at[pl.ds(sid * ZR, ZR)])
        plsc.subcore_barrier()

        pltpu.async_copy(idx4_hbm.at[wid, 0], idx_a, isa)
        pltpu.async_copy(idx4_hbm.at[wid, 1], idx_b, isb)
        pltpu.make_async_copy(idx4_hbm.at[wid, 0], idx_a, isa).wait()
        pltpu.async_copy(h_hbm.at[idx_a.at[0]], buf_a, gsa)

        def chunk2(j, carry):
            i = 2 * j
            pltpu.make_async_copy(idx4_hbm.at[wid, i], idx_b, isb).wait()
            pltpu.make_async_copy(h_hbm.at[idx_a.at[0]], buf_a, gsa).wait()
            pltpu.async_copy(h_hbm.at[idx_b.at[0]], buf_b, gsb)
            pltpu.sync_copy(buf_a, agg_sh.at[idx_a.at[1]], add=True)

            @pl.when(j + 1 < n2)
            def _():
                pltpu.async_copy(idx4_hbm.at[wid, i + 2], idx_a, isa)

            pltpu.make_async_copy(h_hbm.at[idx_b.at[0]], buf_b, gsb).wait()

            @pl.when(j + 1 < n2)
            def _():
                pltpu.make_async_copy(
                    idx4_hbm.at[wid, i + 2], idx_a, isa).wait()
                pltpu.async_copy(h_hbm.at[idx_a.at[0]], buf_a, gsa)

            pltpu.sync_copy(buf_b, agg_sh.at[idx_b.at[1]], add=True)

            @pl.when(j + 1 < n2)
            def _():
                pltpu.async_copy(idx4_hbm.at[wid, i + 3], idx_b, isb)

            return carry

        lax.fori_loop(0, n2, chunk2, 0)
        plsc.subcore_barrier()
        pltpu.sync_copy(agg_sh.at[pl.ds(sid * ZR, ZR)],
                        out_hbm.at[cid, pl.ds(sid * ZR, ZR)])

    return agg_kernel



def _tc1_body(x_ref, w_ref, degp_ref, o_ref):
    deg = degp_ref[0] + degp_ref[1] + 1.0
    dinv = lax.rsqrt(deg)
    h = jnp.dot(x_ref[...], w_ref[...], preferred_element_type=F32)
    o_ref[...] = h * dinv


def _tc2_body(aggp_ref, hp_ref, degp_ref, b_ref, w_ref, o_ref):
    deg = degp_ref[0] + degp_ref[1] + 1.0
    dinv = lax.rsqrt(deg)
    a = aggp_ref[0] + aggp_ref[1] + hp_ref[...]
    z = a * dinv + b_ref[...]
    x1 = jnp.maximum(z, 0.0)
    o_ref[...] = jnp.dot(x1, w_ref[...], preferred_element_type=F32) * dinv


def _tc3_body(d_out, aggp_ref, hp_ref, degp_ref, b_ref, o_ref):
    deg = degp_ref[0] + degp_ref[1] + 1.0
    dinv = lax.rsqrt(deg)
    zf = (aggp_ref[0] + aggp_ref[1] + hp_ref[...]) * dinv
    z = zf[:, :d_out] + b_ref[...]
    m = jnp.max(z, axis=-1, keepdims=True)
    lse = m + jnp.log(jnp.sum(jnp.exp(z - m), axis=-1, keepdims=True))
    o_ref[...] = z - lse



def kernel(x, edge_index, W1, b1, W2, b2):
    N, D_in = x.shape
    D_h = W1.shape[1]
    D_out = W2.shape[1]
    E = edge_index.shape[1]

    NC, NS, _L = _sc_info()
    NW = NC * NS
    K = 128
    BR = 1024
    SD = 2

    n_pad = ((N + NS * 8 - 1) // (NS * 8)) * (NS * 8)
    if n_pad % BR:
        n_pad = ((n_pad + BR - 1) // BR) * BR
    ZR = n_pad // NS
    e_pad = ((E + SD * NW * K - 1) // (SD * NW * K)) * (SD * NW * K)
    n_chunks = e_pad // (NW * K)

    row = edge_index[0]
    col = edge_index[1]
    if e_pad != E:
        spread = N + jnp.arange(e_pad - E, dtype=jnp.int32) % (n_pad - N)
        row = jnp.concatenate([row, spread])
        col = jnp.concatenate([col, spread])
    row3 = row.reshape(NW, n_chunks, K)
    col3 = col.reshape(NW, n_chunks, K)
    idx4 = jnp.stack([row3, col3], axis=2)

    D2 = D_h
    W2p = jnp.zeros((D_h, D2), F32).at[:, :D_out].set(W2)

    x_pad = jnp.zeros((n_pad, D_in), F32).at[:N].set(x)
    zeros1 = jnp.zeros((ZR,), F32)
    zeros2h = jnp.zeros((ZR, D_h), F32)

    grid = n_pad // BR
    full = lambda shape: pl.BlockSpec(shape, lambda i: (0,) * len(shape))
    rowblk = lambda d: pl.BlockSpec((BR, d), lambda i: (i, 0))
    degspec = pl.BlockSpec((NC, BR, 1), lambda i: (0, i, 0))
    aggspec = lambda d: pl.BlockSpec((NC, BR, d), lambda i: (0, i, 0))

    degp = _make_deg_kernel(n_pad, NC, NS, n_chunks, K)(col3, zeros1)
    degp3 = degp.reshape(NC, n_pad, 1)

    h1p = pl.pallas_call(
        _tc1_body,
        grid=(grid,),
        in_specs=[rowblk(D_in), full((D_in, D_h)), degspec],
        out_specs=rowblk(D_h),
        out_shape=jax.ShapeDtypeStruct((n_pad, D_h), F32),
    )(x_pad, W1, degp3)

    agg1 = _make_agg_kernel(n_pad, D_h, NC, NS, n_chunks, K)(
        h1p, idx4, zeros2h)

    h2p = pl.pallas_call(
        _tc2_body,
        grid=(grid,),
        in_specs=[aggspec(D_h), rowblk(D_h), degspec, full((1, D_h)),
                  full((D_h, D2))],
        out_specs=rowblk(D2),
        out_shape=jax.ShapeDtypeStruct((n_pad, D2), F32),
    )(agg1, h1p, degp3, b1.reshape(1, D_h), W2p)

    agg2 = _make_agg_kernel(n_pad, D2, NC, NS, n_chunks, K)(
        h2p, idx4, zeros2h)

    out = pl.pallas_call(
        functools.partial(_tc3_body, D_out),
        grid=(grid,),
        in_specs=[aggspec(D2), rowblk(D2), degspec, full((1, D_out))],
        out_specs=rowblk(D_out),
        out_shape=jax.ShapeDtypeStruct((n_pad, D_out), F32),
    )(agg2, h2p, degp3, b2.reshape(1, D_out))

    return out[:N]

# --- scband reference (transcript-rebuilt; emitter-appended) ---
"""Pipeline reference for scband-model-58841051955369 (READ-ONLY COPY).

The authoritative reference and input builder live on the scoring server;
editing this copy changes nothing except your own understanding.
"""

import jax, jax.numpy as jnp
import numpy as np

N = 10000
E = 320000
D_IN = 128
D_H = 128
D_OUT = 64


def setup_inputs(seed: int = 0) -> dict:
    key = jax.random.key(seed)
    k1, k2, k3, k4 = jax.random.split(key, 4)
    x = jax.random.normal(k1, (N, D_IN), dtype=jnp.float32)
    edge_index = jax.random.randint(k2, (2, E), 0, N, dtype=jnp.int32)
    W1 = jax.random.normal(k3, (D_IN, D_H), dtype=jnp.float32) * (1.0 / np.sqrt(D_IN))
    b1 = jnp.zeros((D_H,), dtype=jnp.float32)
    W2 = jax.random.normal(k4, (D_H, D_OUT), dtype=jnp.float32) * (1.0 / np.sqrt(D_H))
    b2 = jnp.zeros((D_OUT,), dtype=jnp.float32)
    return {"x": x, "edge_index": edge_index, "W1": W1, "b1": b1, "W2": W2, "b2": b2}


def _gcn_norm(edge_index, num_nodes):
    # symmetric normalization with added self-loops (PyG GCNConv, normalize=True)
    row = edge_index[0]
    col = edge_index[1]
    loop = jnp.arange(num_nodes, dtype=row.dtype)
    row = jnp.concatenate([row, loop])
    col = jnp.concatenate([col, loop])
    w = jnp.ones(row.shape[0], dtype=jnp.float32)
    deg = jax.ops.segment_sum(w, col, num_segments=num_nodes)
    deg_inv_sqrt = jnp.where(deg > 0, deg ** -0.5, 0.0)
    norm = deg_inv_sqrt[row] * w * deg_inv_sqrt[col]
    return row, col, norm


def _gcn_conv(x, W, b, row, col, norm, num_nodes):
    h = x @ W
    msg = h[row] * norm[:, None]
    agg = jax.ops.segment_sum(msg, col, num_segments=num_nodes)
    return agg + b


def reference(x, edge_index, W1, b1, W2, b2):
    num_nodes = x.shape[0]
    # cached=True: both layers reuse the same normalized adjacency
    row, col, norm = _gcn_norm(edge_index, num_nodes)
    h = _gcn_conv(x, W1, b1, row, col, norm, num_nodes)
    h = jax.nn.relu(h)
    # dropout: inference mode -> identity
    h = _gcn_conv(h, W2, b2, row, col, norm, num_nodes)
    return jax.nn.log_softmax(h, axis=-1)

if __name__ == "__main__":
    import jax
    _d = setup_inputs()
    print(jax.jit(kernel)(*tuple(_d.values())))

</pallas_src>

<mosaic_0001>
#map = affine_map<(d0, d1) -> (0, 0)>
#map1 = affine_map<(d0, d1) -> (0, 0, 0, 0)>
#map2 = affine_map<(d0, d1) -> (0, 0, 0)>
module attributes {stable_mosaic.version = 14 : i64} {
  func.func @agg_kernel(%arg0: i32, %arg1: i32, %arg2: memref<10240x128xf32, #tpu.memory_space<hbm>>, %arg3: memref<32x80x2x128xi32, #tpu.memory_space<hbm>>, %arg4: memref<640x128xf32, #tpu.memory_space<hbm>>, %arg5: memref<2x10240x128xf32, #tpu.memory_space<hbm>>, %arg6: memref<2x128xi32, #tpu.memory_space<vmem>>, %arg7: memref<2x128xi32, #tpu.memory_space<vmem>>, %arg8: memref<128x128xf32, #tpu.memory_space<vmem>>, %arg9: memref<128x128xf32, #tpu.memory_space<vmem>>, %arg10: memref<!tpu.dma_semaphore, #tpu.memory_space<semaphore_mem>>, %arg11: memref<!tpu.dma_semaphore, #tpu.memory_space<semaphore_mem>>, %arg12: memref<!tpu.dma_semaphore, #tpu.memory_space<semaphore_mem>>, %arg13: memref<!tpu.dma_semaphore, #tpu.memory_space<semaphore_mem>>, %arg14: memref<10240x128xf32, #tpu.memory_space<vmem_shared>>) attributes {dimension_semantics = [#tpu.dimension_semantics<core_parallel>, #tpu.dimension_semantics<subcore_parallel>], iteration_bounds = array<i64: 2, 16>, scalar_prefetch = 0 : i64, scratch_operands = 9 : i64, tpu.core_type = #tpu.core_type<sc_vector_subcore>, window_params = [{transform_indices = #map}, {transform_indices = #map1}, {transform_indices = #map}, {transform_indices = #map2}]} {
    %mul3A = arith.constant 2 : i32
    %mul3A_0 = arith.muli %arg1, %mul3A : i32
    %add3A = arith.addi %mul3A_0, %arg0 : i32
    %mul3A_1 = arith.constant 640 : i32
    %mul3A_2 = arith.muli %arg1, %mul3A_1 : i32
    "tpu.region"() ({
      %run_scoped3A = tpu.sem_alloc : memref<!tpu.dma_semaphore, #tpu.memory_space<semaphore_mem>>
      %dma_start3A_45 = arith.constant 0 : i32
      %dma_start3A_46 = tpu.memref_slice %arg14[%mul3A_2, %dma_start3A_45] : memref<10240x128xf32, #tpu.memory_space<vmem_shared>> -> memref<640x128xf32, #tpu.memory_space<vmem_shared>>
      tpu.enqueue_dma source(%arg4 : memref<640x128xf32, #tpu.memory_space<hbm>>) target(%dma_start3A_46 : memref<640x128xf32, #tpu.memory_space<vmem_shared>>) target_semaphore(%run_scoped3A : memref<!tpu.dma_semaphore, #tpu.memory_space<semaphore_mem>>)
      %dma_wait3A_47 = arith.constant 0 : i32
      %dma_wait3A_48 = tpu.memref_slice %arg14[%mul3A_2, %dma_wait3A_47] : memref<10240x128xf32, #tpu.memory_space<vmem_shared>> -> memref<640x128xf32, #tpu.memory_space<vmem_shared>>
      tpu.wait_dma2 semaphore(%run_scoped3A : memref<!tpu.dma_semaphore, #tpu.memory_space<semaphore_mem>>) src(%arg4 : memref<640x128xf32, #tpu.memory_space<hbm>>) dst(%dma_wait3A_48 : memref<640x128xf32, #tpu.memory_space<vmem_shared>>)
      tpu.yield
    }) : () -> ()
    %barrier3A = arith.constant 0 : index
    tpu.barrier barrier_id(%barrier3A)
    %dma_start3A = arith.constant 0 : i32
    %dma_start3A_3 = arith.constant 0 : i32
    %dma_start3A_4 = arith.constant 0 : i32
    %dma_start3A_5 = tpu.memref_slice %arg3[%add3A, %dma_start3A, %dma_start3A_3, %dma_start3A_4] : memref<32x80x2x128xi32, #tpu.memory_space<hbm>> -> memref<1x1x2x128xi32, #tpu.memory_space<hbm>>
    %dma_start3A_6 = tpu.memref_squeeze %dma_start3A_5 : memref<1x1x2x128xi32, #tpu.memory_space<hbm>> -> memref<2x128xi32, #tpu.memory_space<hbm>>
    %dma_start3A_7 = arith.constant 0 : i32
    %dma_start3A_8 = arith.constant 0 : i32
    %dma_start3A_9 = tpu.memref_slice %arg3[%add3A, %dma_start3A, %dma_start3A_7, %dma_start3A_8] : memref<32x80x2x128xi32, #tpu.memory_space<hbm>> -> memref<1x1x2x128xi32, #tpu.memory_space<hbm>>
    %dma_start3A_10 = tpu.memref_squeeze %dma_start3A_9 : memref<1x1x2x128xi32, #tpu.memory_space<hbm>> -> memref<2x128xi32, #tpu.memory_space<hbm>>
    tpu.enqueue_dma source(%dma_start3A_10 : memref<2x128xi32, #tpu.memory_space<hbm>>) target(%arg6 : memref<2x128xi32, #tpu.memory_space<vmem>>) target_semaphore(%arg10 : memref<!tpu.dma_semaphore, #tpu.memory_space<semaphore_mem>>)
    %dma_start3A_11 = arith.constant 1 : i32
    %dma_start3A_12 = arith.constant 0 : i32
    %dma_start3A_13 = arith.constant 0 : i32
    %dma_start3A_14 = tpu.memref_slice %arg3[%add3A, %dma_start3A_11, %dma_start3A_12, %dma_start3A_13] : memref<32x80x2x128xi32, #tpu.memory_space<hbm>> -> memref<1x1x2x128xi32, #tpu.memory_space<hbm>>
    %dma_start3A_15 = tpu.memref_squeeze %dma_start3A_14 : memref<1x1x2x128xi32, #tpu.memory_space<hbm>> -> memref<2x128xi32, #tpu.memory_space<hbm>>
    %dma_start3A_16 = arith.constant 0 : i32
    %dma_start3A_17 = arith.constant 0 : i32
    %dma_start3A_18 = tpu.memref_slice %arg3[%add3A, %dma_start3A_11, %dma_start3A_16, %dma_start3A_17] : memref<32x80x2x128xi32, #tpu.memory_space<hbm>> -> memref<1x1x2x128xi32, #tpu.memory_space<hbm>>
    %dma_start3A_19 = tpu.memref_squeeze %dma_start3A_18 : memref<1x1x2x128xi32, #tpu.memory_space<hbm>> -> memref<2x128xi32, #tpu.memory_space<hbm>>
    tpu.enqueue_dma source(%dma_start3A_19 : memref<2x128xi32, #tpu.memory_space<hbm>>) target(%arg7 : memref<2x128xi32, #tpu.memory_space<vmem>>) target_semaphore(%arg11 : memref<!tpu.dma_semaphore, #tpu.memory_space<semaphore_mem>>)
    %dma_wait3A = arith.constant 0 : i32
    %dma_wait3A_20 = arith.constant 0 : i32
    %dma_wait3A_21 = arith.constant 0 : i32
    %dma_wait3A_22 = tpu.memref_slice %arg3[%add3A, %dma_wait3A, %dma_wait3A_20, %dma_wait3A_21] : memref<32x80x2x128xi32, #tpu.memory_space<hbm>> -> memref<1x1x2x128xi32, #tpu.memory_space<hbm>>
    %dma_wait3A_23 = tpu.memref_squeeze %dma_wait3A_22 : memref<1x1x2x128xi32, #tpu.memory_space<hbm>> -> memref<2x128xi32, #tpu.memory_space<hbm>>
    %dma_wait3A_24 = arith.constant 0 : i32
    %dma_wait3A_25 = arith.constant 0 : i32
    %dma_wait3A_26 = tpu.memref_slice %arg3[%add3A, %dma_wait3A, %dma_wait3A_24, %dma_wait3A_25] : memref<32x80x2x128xi32, #tpu.memory_space<hbm>> -> memref<1x1x2x128xi32, #tpu.memory_space<hbm>>
    %dma_wait3A_27 = tpu.memref_squeeze %dma_wait3A_26 : memref<1x1x2x128xi32, #tpu.memory_space<hbm>> -> memref<2x128xi32, #tpu.memory_space<hbm>>
    tpu.wait_dma2 semaphore(%arg10 : memref<!tpu.dma_semaphore, #tpu.memory_space<semaphore_mem>>) src(%dma_wait3A_27 : memref<2x128xi32, #tpu.memory_space<hbm>>) dst(%arg6 : memref<2x128xi32, #tpu.memory_space<vmem>>)
    %dma_start3A_28 = arith.constant 0 : i32
    %dma_start3A_29 = arith.constant 0 : i32
    %dma_start3A_30 = tpu.memref_slice %arg6[%dma_start3A_28, %dma_start3A_29] : memref<2x128xi32, #tpu.memory_space<vmem>> -> memref<1x128xi32, #tpu.memory_space<vmem>>
    %dma_start3A_31 = tpu.memref_squeeze %dma_start3A_30 : memref<1x128xi32, #tpu.memory_space<vmem>> -> memref<128xi32, #tpu.memory_space<vmem>>
    %dma_start3A_32 = arith.constant 0 : i32
    %dma_start3A_33 = arith.constant 0 : i32
    %dma_start3A_34 = tpu.memref_slice %arg2[%dma_start3A_32, %dma_start3A_33] : memref<10240x128xf32, #tpu.memory_space<hbm>> -> memref<10240x128xf32, #tpu.memory_space<hbm>>
    tpu.enqueue_indirect_dma source(%dma_start3A_34 : memref<10240x128xf32, #tpu.memory_space<hbm>>) target(%arg8 : memref<128x128xf32, #tpu.memory_space<vmem>>) offsets(%dma_start3A_31 : memref<128xi32, #tpu.memory_space<vmem>>) semaphore(%arg12 : memref<!tpu.dma_semaphore, #tpu.memory_space<semaphore_mem>>)
    %scan3A = arith.constant 0 : i32
    %scan3A_35 = arith.constant 0 : i32
    %scan3A_36 = arith.constant 40 : i32
    %scan3A_37 = arith.addi %scan3A_35, %scan3A_36 : i32
    %scan3A_38 = arith.constant 1 : i32
    scf.for %scan3A_45 = %scan3A_35 to %scan3A_37 step %scan3A_38  : i32 {
      %mul3A_46 = arith.constant 2 : i32
      %mul3A_47 = arith.muli %mul3A_46, %scan3A_45 : i32
      %dma_wait3A_48 = arith.constant 0 : i32
      %dma_wait3A_49 = arith.constant 0 : i32
      %dma_wait3A_50 = tpu.memref_slice %arg3[%add3A, %mul3A_47, %dma_wait3A_48, %dma_wait3A_49] : memref<32x80x2x128xi32, #tpu.memory_space<hbm>> -> memref<1x1x2x128xi32, #tpu.memory_space<hbm>>
      %dma_wait3A_51 = tpu.memref_squeeze %dma_wait3A_50 : memref<1x1x2x128xi32, #tpu.memory_space<hbm>> -> memref<2x128xi32, #tpu.memory_space<hbm>>
      %dma_wait3A_52 = arith.constant 0 : i32
      %dma_wait3A_53 = arith.constant 0 : i32
      %dma_wait3A_54 = tpu.memref_slice %arg3[%add3A, %mul3A_47, %dma_wait3A_52, %dma_wait3A_53] : memref<32x80x2x128xi32, #tpu.memory_space<hbm>> -> memref<1x1x2x128xi32, #tpu.memory_space<hbm>>
      %dma_wait3A_55 = tpu.memref_squeeze %dma_wait3A_54 : memref<1x1x2x128xi32, #tpu.memory_space<hbm>> -> memref<2x128xi32, #tpu.memory_space<hbm>>
      tpu.wait_dma2 semaphore(%arg11 : memref<!tpu.dma_semaphore, #tpu.memory_space<semaphore_mem>>) src(%dma_wait3A_55 : memref<2x128xi32, #tpu.memory_space<hbm>>) dst(%arg7 : memref<2x128xi32, #tpu.memory_space<vmem>>)
      %dma_wait3A_56 = arith.constant 0 : i32
      %dma_wait3A_57 = arith.constant 0 : i32
      %dma_wait3A_58 = tpu.memref_slice %arg6[%dma_wait3A_56, %dma_wait3A_57] : memref<2x128xi32, #tpu.memory_space<vmem>> -> memref<1x128xi32, #tpu.memory_space<vmem>>
      %dma_wait3A_59 = tpu.memref_squeeze %dma_wait3A_58 : memref<1x128xi32, #tpu.memory_space<vmem>> -> memref<128xi32, #tpu.memory_space<vmem>>
      %dma_wait3A_60 = arith.constant 0 : i32
      %dma_wait3A_61 = arith.constant 0 : i32
      %dma_wait3A_62 = tpu.memref_slice %arg2[%dma_wait3A_60, %dma_wait3A_61] : memref<10240x128xf32, #tpu.memory_space<hbm>> -> memref<10240x128xf32, #tpu.memory_space<hbm>>
      tpu.wait_indirect_dma semaphore(%arg12 : memref<!tpu.dma_semaphore, #tpu.memory_space<semaphore_mem>>) src(%dma_wait3A_62 : memref<10240x128xf32, #tpu.memory_space<hbm>>) dst(%arg8 : memref<128x128xf32, #tpu.memory_space<vmem>>)
      %dma_start3A_63 = arith.constant 0 : i32
      %dma_start3A_64 = arith.constant 0 : i32
      %dma_start3A_65 = tpu.memref_slice %arg7[%dma_start3A_63, %dma_start3A_64] : memref<2x128xi32, #tpu.memory_space<vmem>> -> memref<1x128xi32, #tpu.memory_space<vmem>>
      %dma_start3A_66 = tpu.memref_squeeze %dma_start3A_65 : memref<1x128xi32, #tpu.memory_space<vmem>> -> memref<128xi32, #tpu.memory_space<vmem>>
      %dma_start3A_67 = arith.constant 0 : i32
      %dma_start3A_68 = arith.constant 0 : i32
      %dma_start3A_69 = tpu.memref_slice %arg2[%dma_start3A_67, %dma_start3A_68] : memref<10240x128xf32, #tpu.memory_space<hbm>> -> memref<10240x128xf32, #tpu.memory_space<hbm>>
      tpu.enqueue_indirect_dma source(%dma_start3A_69 : memref<10240x128xf32, #tpu.memory_space<hbm>>) target(%arg9 : memref<128x128xf32, #tpu.memory_space<vmem>>) offsets(%dma_start3A_66 : memref<128xi32, #tpu.memory_space<vmem>>) semaphore(%arg13 : memref<!tpu.dma_semaphore, #tpu.memory_space<semaphore_mem>>)
      %run_scoped3A = arith.constant 1 : i32
      "tpu.region"() ({
        %run_scoped3A_96 = tpu.sem_alloc : memref<!tpu.dma_semaphore, #tpu.memory_space<semaphore_mem>>
        %dma_start3A_97 = arith.constant 0 : i32
        %dma_start3A_98 = tpu.memref_slice %arg6[%run_scoped3A, %dma_start3A_97] : memref<2x128xi32, #tpu.memory_space<vmem>> -> memref<1x128xi32, #tpu.memory_space<vmem>>
        %dma_start3A_99 = tpu.memref_squeeze %dma_start3A_98 : memref<1x128xi32, #tpu.memory_space<vmem>> -> memref<128xi32, #tpu.memory_space<vmem>>
        %dma_start3A_100 = arith.constant 0 : i32
        %dma_start3A_101 = arith.constant 0 : i32
        %dma_start3A_102 = tpu.memref_slice %arg14[%dma_start3A_100, %dma_start3A_101] : memref<10240x128xf32, #tpu.memory_space<vmem_shared>> -> memref<10240x128xf32, #tpu.memory_space<vmem_shared>>
        tpu.enqueue_indirect_dma source(%arg8 : memref<128x128xf32, #tpu.memory_space<vmem>>) target(%dma_start3A_102 : memref<10240x128xf32, #tpu.memory_space<vmem_shared>>) offsets(%dma_start3A_99 : memref<128xi32, #tpu.memory_space<vmem>>) semaphore(%run_scoped3A_96 : memref<!tpu.dma_semaphore, #tpu.memory_space<semaphore_mem>>) {add = true}
        %dma_wait3A_103 = arith.constant 0 : i32
        %dma_wait3A_104 = tpu.memref_slice %arg6[%run_scoped3A, %dma_wait3A_103] : memref<2x128xi32, #tpu.memory_space<vmem>> -> memref<1x128xi32, #tpu.memory_space<vmem>>
        %dma_wait3A_105 = tpu.memref_squeeze %dma_wait3A_104 : memref<1x128xi32, #tpu.memory_space<vmem>> -> memref<128xi32, #tpu.memory_space<vmem>>
        %dma_wait3A_106 = arith.constant 0 : i32
        %dma_wait3A_107 = arith.constant 0 : i32
        %dma_wait3A_108 = tpu.memref_slice %arg14[%dma_wait3A_106, %dma_wait3A_107] : memref<10240x128xf32, #tpu.memory_space<vmem_shared>> -> memref<10240x128xf32, #tpu.memory_space<vmem_shared>>
        tpu.wait_indirect_dma semaphore(%run_scoped3A_96 : memref<!tpu.dma_semaphore, #tpu.memory_space<semaphore_mem>>) src(%arg8 : memref<128x128xf32, #tpu.memory_space<vmem>>) dst(%dma_wait3A_108 : memref<10240x128xf32, #tpu.memory_space<vmem_shared>>)
        tpu.yield
      }) : () -> ()
      %add3A_70 = arith.constant 1 : i32
      %add3A_71 = arith.addi %scan3A_45, %add3A_70 : i32
      %lt3A = arith.constant 40 : i32
      %lt3A_72 = arith.cmpi slt, %add3A_71, %lt3A : i32
      %convert_element_type3A = arith.extui %lt3A_72 : i1 to i32
      %cond3A = arith.constant 0 : i32
      %cond3A_73 = arith.cmpi ne, %convert_element_type3A, %cond3A : i32
      scf.if %cond3A_73 {
        %add3A_96 = arith.constant 2 : i32
        %add3A_97 = arith.addi %mul3A_47, %add3A_96 : i32
        %dma_start3A_98 = arith.constant 0 : i32
        %dma_start3A_99 = arith.constant 0 : i32
        %dma_start3A_100 = tpu.memref_slice %arg3[%add3A, %add3A_97, %dma_start3A_98, %dma_start3A_99] : memref<32x80x2x128xi32, #tpu.memory_space<hbm>> -> memref<1x1x2x128xi32, #tpu.memory_space<hbm>>
        %dma_start3A_101 = tpu.memref_squeeze %dma_start3A_100 : memref<1x1x2x128xi32, #tpu.memory_space<hbm>> -> memref<2x128xi32, #tpu.memory_space<hbm>>
        %dma_start3A_102 = arith.constant 0 : i32
        %dma_start3A_103 = arith.constant 0 : i32
        %dma_start3A_104 = tpu.memref_slice %arg3[%add3A, %add3A_97, %dma_start3A_102, %dma_start3A_103] : memref<32x80x2x128xi32, #tpu.memory_space<hbm>> -> memref<1x1x2x128xi32, #tpu.memory_space<hbm>>
        %dma_start3A_105 = tpu.memref_squeeze %dma_start3A_104 : memref<1x1x2x128xi32, #tpu.memory_space<hbm>> -> memref<2x128xi32, #tpu.memory_space<hbm>>
        tpu.enqueue_dma source(%dma_start3A_105 : memref<2x128xi32, #tpu.memory_space<hbm>>) target(%arg6 : memref<2x128xi32, #tpu.memory_space<vmem>>) target_semaphore(%arg10 : memref<!tpu.dma_semaphore, #tpu.memory_space<semaphore_mem>>)
      } else {
      }
      %dma_wait3A_74 = arith.constant 0 : i32
      %dma_wait3A_75 = arith.constant 0 : i32
      %dma_wait3A_76 = tpu.memref_slice %arg7[%dma_wait3A_74, %dma_wait3A_75] : memref<2x128xi32, #tpu.memory_space<vmem>> -> memref<1x128xi32, #tpu.memory_space<vmem>>
      %dma_wait3A_77 = tpu.memref_squeeze %dma_wait3A_76 : memref<1x128xi32, #tpu.memory_space<vmem>> -> memref<128xi32, #tpu.memory_space<vmem>>
      %dma_wait3A_78 = arith.constant 0 : i32
      %dma_wait3A_79 = arith.constant 0 : i32
      %dma_wait3A_80 = tpu.memref_slice %arg2[%dma_wait3A_78, %dma_wait3A_79] : memref<10240x128xf32, #tpu.memory_space<hbm>> -> memref<10240x128xf32, #tpu.memory_space<hbm>>
      tpu.wait_indirect_dma semaphore(%arg13 : memref<!tpu.dma_semaphore, #tpu.memory_space<semaphore_mem>>) src(%dma_wait3A_80 : memref<10240x128xf32, #tpu.memory_space<hbm>>) dst(%arg9 : memref<128x128xf32, #tpu.memory_space<vmem>>)
      %add3A_81 = arith.constant 1 : i32
      %add3A_82 = arith.addi %scan3A_45, %add3A_81 : i32
      %lt3A_83 = arith.constant 40 : i32
      %lt3A_84 = arith.cmpi slt, %add3A_82, %lt3A_83 : i32
      %convert_element_type3A_85 = arith.extui %lt3A_84 : i1 to i32
      %cond3A_86 = arith.constant 0 : i32
      %cond3A_87 = arith.cmpi ne, %convert_element_type3A_85, %cond3A_86 : i32
      scf.if %cond3A_87 {
        %add3A_96 = arith.constant 2 : i32
        %add3A_97 = arith.addi %mul3A_47, %add3A_96 : i32
        %dma_wait3A_98 = arith.constant 0 : i32
        %dma_wait3A_99 = arith.constant 0 : i32
        %dma_wait3A_100 = tpu.memref_slice %arg3[%add3A, %add3A_97, %dma_wait3A_98, %dma_wait3A_99] : memref<32x80x2x128xi32, #tpu.memory_space<hbm>> -> memref<1x1x2x128xi32, #tpu.memory_space<hbm>>
        %dma_wait3A_101 = tpu.memref_squeeze %dma_wait3A_100 : memref<1x1x2x128xi32, #tpu.memory_space<hbm>> -> memref<2x128xi32, #tpu.memory_space<hbm>>
        %dma_wait3A_102 = arith.constant 0 : i32
        %dma_wait3A_103 = arith.constant 0 : i32
        %dma_wait3A_104 = tpu.memref_slice %arg3[%add3A, %add3A_97, %dma_wait3A_102, %dma_wait3A_103] : memref<32x80x2x128xi32, #tpu.memory_space<hbm>> -> memref<1x1x2x128xi32, #tpu.memory_space<hbm>>
        %dma_wait3A_105 = tpu.memref_squeeze %dma_wait3A_104 : memref<1x1x2x128xi32, #tpu.memory_space<hbm>> -> memref<2x128xi32, #tpu.memory_space<hbm>>
        tpu.wait_dma2 semaphore(%arg10 : memref<!tpu.dma_semaphore, #tpu.memory_space<semaphore_mem>>) src(%dma_wait3A_105 : memref<2x128xi32, #tpu.memory_space<hbm>>) dst(%arg6 : memref<2x128xi32, #tpu.memory_space<vmem>>)
        %dma_start3A_106 = arith.constant 0 : i32
        %dma_start3A_107 = arith.constant 0 : i32
        %dma_start3A_108 = tpu.memref_slice %arg6[%dma_start3A_106, %dma_start3A_107] : memref<2x128xi32, #tpu.memory_space<vmem>> -> memref<1x128xi32, #tpu.memory_space<vmem>>
        %dma_start3A_109 = tpu.memref_squeeze %dma_start3A_108 : memref<1x128xi32, #tpu.memory_space<vmem>> -> memref<128xi32, #tpu.memory_space<vmem>>
        %dma_start3A_110 = arith.constant 0 : i32
        %dma_start3A_111 = arith.constant 0 : i32
        %dma_start3A_112 = tpu.memref_slice %arg2[%dma_start3A_110, %dma_start3A_111] : memref<10240x128xf32, #tpu.memory_space<hbm>> -> memref<10240x128xf32, #tpu.memory_space<hbm>>
        tpu.enqueue_indirect_dma source(%dma_start3A_112 : memref<10240x128xf32, #tpu.memory_space<hbm>>) target(%arg8 : memref<128x128xf32, #tpu.memory_space<vmem>>) offsets(%dma_start3A_109 : memref<128xi32, #tpu.memory_space<vmem>>) semaphore(%arg12 : memref<!tpu.dma_semaphore, #tpu.memory_space<semaphore_mem>>)
      } else {
      }
      %run_scoped3A_88 = arith.constant 1 : i32
      "tpu.region"() ({
        %run_scoped3A_96 = tpu.sem_alloc : memref<!tpu.dma_semaphore, #tpu.memory_space<semaphore_mem>>
        %dma_start3A_97 = arith.constant 0 : i32
        %dma_start3A_98 = tpu.memref_slice %arg7[%run_scoped3A_88, %dma_start3A_97] : memref<2x128xi32, #tpu.memory_space<vmem>> -> memref<1x128xi32, #tpu.memory_space<vmem>>
        %dma_start3A_99 = tpu.memref_squeeze %dma_start3A_98 : memref<1x128xi32, #tpu.memory_space<vmem>> -> memref<128xi32, #tpu.memory_space<vmem>>
        %dma_start3A_100 = arith.constant 0 : i32
        %dma_start3A_101 = arith.constant 0 : i32
        %dma_start3A_102 = tpu.memref_slice %arg14[%dma_start3A_100, %dma_start3A_101] : memref<10240x128xf32, #tpu.memory_space<vmem_shared>> -> memref<10240x128xf32, #tpu.memory_space<vmem_shared>>
        tpu.enqueue_indirect_dma source(%arg9 : memref<128x128xf32, #tpu.memory_space<vmem>>) target(%dma_start3A_102 : memref<10240x128xf32, #tpu.memory_space<vmem_shared>>) offsets(%dma_start3A_99 : memref<128xi32, #tpu.memory_space<vmem>>) semaphore(%run_scoped3A_96 : memref<!tpu.dma_semaphore, #tpu.memory_space<semaphore_mem>>) {add = true}
        %dma_wait3A_103 = arith.constant 0 : i32
        %dma_wait3A_104 = tpu.memref_slice %arg7[%run_scoped3A_88, %dma_wait3A_103] : memref<2x128xi32, #tpu.memory_space<vmem>> -> memref<1x128xi32, #tpu.memory_space<vmem>>
        %dma_wait3A_105 = tpu.memref_squeeze %dma_wait3A_104 : memref<1x128xi32, #tpu.memory_space<vmem>> -> memref<128xi32, #tpu.memory_space<vmem>>
        %dma_wait3A_106 = arith.constant 0 : i32
        %dma_wait3A_107 = arith.constant 0 : i32
        %dma_wait3A_108 = tpu.memref_slice %arg14[%dma_wait3A_106, %dma_wait3A_107] : memref<10240x128xf32, #tpu.memory_space<vmem_shared>> -> memref<10240x128xf32, #tpu.memory_space<vmem_shared>>
        tpu.wait_indirect_dma semaphore(%run_scoped3A_96 : memref<!tpu.dma_semaphore, #tpu.memory_space<semaphore_mem>>) src(%arg9 : memref<128x128xf32, #tpu.memory_space<vmem>>) dst(%dma_wait3A_108 : memref<10240x128xf32, #tpu.memory_space<vmem_shared>>)
        tpu.yield
      }) : () -> ()
      %add3A_89 = arith.constant 1 : i32
      %add3A_90 = arith.addi %scan3A_45, %add3A_89 : i32
      %lt3A_91 = arith.constant 40 : i32
      %lt3A_92 = arith.cmpi slt, %add3A_90, %lt3A_91 : i32
      %convert_element_type3A_93 = arith.extui %lt3A_92 : i1 to i32
      %cond3A_94 = arith.constant 0 : i32
      %cond3A_95 = arith.cmpi ne, %convert_element_type3A_93, %cond3A_94 : i32
      scf.if %cond3A_95 {
        %add3A_96 = arith.constant 3 : i32
        %add3A_97 = arith.addi %mul3A_47, %add3A_96 : i32
        %dma_start3A_98 = arith.constant 0 : i32
        %dma_start3A_99 = arith.constant 0 : i32
        %dma_start3A_100 = tpu.memref_slice %arg3[%add3A, %add3A_97, %dma_start3A_98, %dma_start3A_99] : memref<32x80x2x128xi32, #tpu.memory_space<hbm>> -> memref<1x1x2x128xi32, #tpu.memory_space<hbm>>
        %dma_start3A_101 = tpu.memref_squeeze %dma_start3A_100 : memref<1x1x2x128xi32, #tpu.memory_space<hbm>> -> memref<2x128xi32, #tpu.memory_space<hbm>>
        %dma_start3A_102 = arith.constant 0 : i32
        %dma_start3A_103 = arith.constant 0 : i32
        %dma_start3A_104 = tpu.memref_slice %arg3[%add3A, %add3A_97, %dma_start3A_102, %dma_start3A_103] : memref<32x80x2x128xi32, #tpu.memory_space<hbm>> -> memref<1x1x2x128xi32, #tpu.memory_space<hbm>>
        %dma_start3A_105 = tpu.memref_squeeze %dma_start3A_104 : memref<1x1x2x128xi32, #tpu.memory_space<hbm>> -> memref<2x128xi32, #tpu.memory_space<hbm>>
        tpu.enqueue_dma source(%dma_start3A_105 : memref<2x128xi32, #tpu.memory_space<hbm>>) target(%arg7 : memref<2x128xi32, #tpu.memory_space<vmem>>) target_semaphore(%arg11 : memref<!tpu.dma_semaphore, #tpu.memory_space<semaphore_mem>>)
      } else {
      }
    }
    %scan3A_39 = arith.constant 40 : i32
    %barrier3A_40 = arith.constant 0 : index
    tpu.barrier barrier_id(%barrier3A_40)
    %mul3A_41 = arith.constant 640 : i32
    %mul3A_42 = arith.muli %arg1, %mul3A_41 : i32
    %mul3A_43 = arith.constant 640 : i32
    %mul3A_44 = arith.muli %arg1, %mul3A_43 : i32
    "tpu.region"() ({
      %run_scoped3A = tpu.sem_alloc : memref<!tpu.dma_semaphore, #tpu.memory_space<semaphore_mem>>
      %dma_start3A_45 = arith.constant 0 : i32
      %dma_start3A_46 = tpu.memref_slice %arg5[%arg0, %mul3A_44, %dma_start3A_45] : memref<2x10240x128xf32, #tpu.memory_space<hbm>> -> memref<1x640x128xf32, #tpu.memory_space<hbm>>
      %dma_start3A_47 = tpu.memref_squeeze %dma_start3A_46 : memref<1x640x128xf32, #tpu.memory_space<hbm>> -> memref<640x128xf32, #tpu.memory_space<hbm>>
      %dma_start3A_48 = arith.constant 0 : i32
      %dma_start3A_49 = tpu.memref_slice %arg14[%mul3A_42, %dma_start3A_48] : memref<10240x128xf32, #tpu.memory_space<vmem_shared>> -> memref<640x128xf32, #tpu.memory_space<vmem_shared>>
      tpu.enqueue_dma source(%dma_start3A_49 : memref<640x128xf32, #tpu.memory_space<vmem_shared>>) target(%dma_start3A_47 : memref<640x128xf32, #tpu.memory_space<hbm>>) target_semaphore(%run_scoped3A : memref<!tpu.dma_semaphore, #tpu.memory_space<semaphore_mem>>)
      %dma_wait3A_50 = arith.constant 0 : i32
      %dma_wait3A_51 = tpu.memref_slice %arg5[%arg0, %mul3A_44, %dma_wait3A_50] : memref<2x10240x128xf32, #tpu.memory_space<hbm>> -> memref<1x640x128xf32, #tpu.memory_space<hbm>>
      %dma_wait3A_52 = tpu.memref_squeeze %dma_wait3A_51 : memref<1x640x128xf32, #tpu.memory_space<hbm>> -> memref<640x128xf32, #tpu.memory_space<hbm>>
      %dma_wait3A_53 = arith.constant 0 : i32
      %dma_wait3A_54 = tpu.memref_slice %arg14[%mul3A_42, %dma_wait3A_53] : memref<10240x128xf32, #tpu.memory_space<vmem_shared>> -> memref<640x128xf32, #tpu.memory_space<vmem_shared>>
      tpu.wait_dma2 semaphore(%run_scoped3A : memref<!tpu.dma_semaphore, #tpu.memory_space<semaphore_mem>>) src(%dma_wait3A_54 : memref<640x128xf32, #tpu.memory_space<vmem_shared>>) dst(%dma_wait3A_52 : memref<640x128xf32, #tpu.memory_space<hbm>>)
      tpu.yield
    }) : () -> ()
    return
  }
}

#map = affine_map<(d0, d1) -> (0, 0, 0)>
#map1 = affine_map<(d0, d1) -> (0)>
#map2 = affine_map<(d0, d1) -> (0, 0)>
module attributes {stable_mosaic.version = 14 : i64} {
  func.func @deg_kernel(%arg0: i32, %arg1: i32, %arg2: memref<32x80x128xi32, #tpu.memory_space<hbm>>, %arg3: memref<640xf32, #tpu.memory_space<hbm>>, %arg4: memref<2x10240xf32, #tpu.memory_space<hbm>>, %arg5: memref<80x128xi32, #tpu.memory_space<vmem>>, %arg6: memref<128xf32, #tpu.memory_space<vmem>>, %arg7: memref<10240xf32, #tpu.memory_space<vmem_shared>>) attributes {dimension_semantics = [#tpu.dimension_semantics<core_parallel>, #tpu.dimension_semantics<subcore_parallel>], iteration_bounds = array<i64: 2, 16>, scalar_prefetch = 0 : i64, scratch_operands = 3 : i64, tpu.core_type = #tpu.core_type<sc_vector_subcore>, window_params = [{transform_indices = #map}, {transform_indices = #map1}, {transform_indices = #map2}]} {
    %mul3A = arith.constant 2 : i32
    %mul3A_0 = arith.muli %arg1, %mul3A : i32
    %add3A = arith.addi %mul3A_0, %arg0 : i32
    %mul3A_1 = arith.constant 640 : i32
    %mul3A_2 = arith.muli %arg1, %mul3A_1 : i32
    "tpu.region"() ({
      %run_scoped3A = tpu.sem_alloc : memref<!tpu.dma_semaphore, #tpu.memory_space<semaphore_mem>>
      %dma_start3A = tpu.memref_slice %arg7[%mul3A_2] : memref<10240xf32, #tpu.memory_space<vmem_shared>> -> memref<640xf32, #tpu.memory_space<vmem_shared>>
      tpu.enqueue_dma source(%arg3 : memref<640xf32, #tpu.memory_space<hbm>>) target(%dma_start3A : memref<640xf32, #tpu.memory_space<vmem_shared>>) target_semaphore(%run_scoped3A : memref<!tpu.dma_semaphore, #tpu.memory_space<semaphore_mem>>)
      %dma_wait3A = tpu.memref_slice %arg7[%mul3A_2] : memref<10240xf32, #tpu.memory_space<vmem_shared>> -> memref<640xf32, #tpu.memory_space<vmem_shared>>
      tpu.wait_dma2 semaphore(%run_scoped3A : memref<!tpu.dma_semaphore, #tpu.memory_space<semaphore_mem>>) src(%arg3 : memref<640xf32, #tpu.memory_space<hbm>>) dst(%dma_wait3A : memref<640xf32, #tpu.memory_space<vmem_shared>>)
      tpu.yield
    }) : () -> ()
    "tpu.region"() ({
      %run_scoped3A = tpu.sem_alloc : memref<!tpu.dma_semaphore, #tpu.memory_space<semaphore_mem>>
      %dma_start3A = arith.constant 0 : i32
      %dma_start3A_59 = arith.constant 0 : i32
      %dma_start3A_60 = tpu.memref_slice %arg2[%add3A, %dma_start3A, %dma_start3A_59] : memref<32x80x128xi32, #tpu.memory_space<hbm>> -> memref<1x80x128xi32, #tpu.memory_space<hbm>>
      %dma_start3A_61 = tpu.memref_squeeze %dma_start3A_60 : memref<1x80x128xi32, #tpu.memory_space<hbm>> -> memref<80x128xi32, #tpu.memory_space<hbm>>
      %dma_start3A_62 = arith.constant 0 : i32
      %dma_start3A_63 = arith.constant 0 : i32
      %dma_start3A_64 = tpu.memref_slice %arg2[%add3A, %dma_start3A_62, %dma_start3A_63] : memref<32x80x128xi32, #tpu.memory_space<hbm>> -> memref<1x80x128xi32, #tpu.memory_space<hbm>>
      %dma_start3A_65 = tpu.memref_squeeze %dma_start3A_64 : memref<1x80x128xi32, #tpu.memory_space<hbm>> -> memref<80x128xi32, #tpu.memory_space<hbm>>
      tpu.enqueue_dma source(%dma_start3A_65 : memref<80x128xi32, #tpu.memory_space<hbm>>) target(%arg5 : memref<80x128xi32, #tpu.memory_space<vmem>>) target_semaphore(%run_scoped3A : memref<!tpu.dma_semaphore, #tpu.memory_space<semaphore_mem>>)
      %dma_wait3A = arith.constant 0 : i32
      %dma_wait3A_66 = arith.constant 0 : i32
      %dma_wait3A_67 = tpu.memref_slice %arg2[%add3A, %dma_wait3A, %dma_wait3A_66] : memref<32x80x128xi32, #tpu.memory_space<hbm>> -> memref<1x80x128xi32, #tpu.memory_space<hbm>>
      %dma_wait3A_68 = tpu.memref_squeeze %dma_wait3A_67 : memref<1x80x128xi32, #tpu.memory_space<hbm>> -> memref<80x128xi32, #tpu.memory_space<hbm>>
      %dma_wait3A_69 = arith.constant 0 : i32
      %dma_wait3A_70 = arith.constant 0 : i32
      %dma_wait3A_71 = tpu.memref_slice %arg2[%add3A, %dma_wait3A_69, %dma_wait3A_70] : memref<32x80x128xi32, #tpu.memory_space<hbm>> -> memref<1x80x128xi32, #tpu.memory_space<hbm>>
      %dma_wait3A_72 = tpu.memref_squeeze %dma_wait3A_71 : memref<1x80x128xi32, #tpu.memory_space<hbm>> -> memref<80x128xi32, #tpu.memory_space<hbm>>
      tpu.wait_dma2 semaphore(%run_scoped3A : memref<!tpu.dma_semaphore, #tpu.memory_space<semaphore_mem>>) src(%dma_wait3A_72 : memref<80x128xi32, #tpu.memory_space<hbm>>) dst(%arg5 : memref<80x128xi32, #tpu.memory_space<vmem>>)
      tpu.yield
    }) : () -> ()
    %broadcast_in_dim3A = arith.constant 1.000000e+00 : f32
    %broadcast_in_dim3A_3 = vector.broadcast %broadcast_in_dim3A : f32 to vector<16xf32>
    %swap3A = arith.constant 0 : index
    %swap3A_4 = tpu.vector_load %arg6[%swap3A] {strides = array<i32>} : memref<128xf32, #tpu.memory_space<vmem>>, vector<16xf32>,
    %swap3A_5 = vector.shape_cast %swap3A_4 : vector<16xf32> to vector<16xf32>
    %swap3A_6 = vector.shape_cast %broadcast_in_dim3A_3 : vector<16xf32> to vector<16xf32>
    tpu.vector_store %arg6[%swap3A], %swap3A_6 {strides = array<i32>} : memref<128xf32, #tpu.memory_space<vmem>>, vector<16xf32>,
    %broadcast_in_dim3A_7 = arith.constant 1.000000e+00 : f32
    %broadcast_in_dim3A_8 = vector.broadcast %broadcast_in_dim3A_7 : f32 to vector<16xf32>
    %swap3A_9 = arith.constant 16 : index
    %swap3A_10 = tpu.vector_load %arg6[%swap3A_9] {strides = array<i32>} : memref<128xf32, #tpu.memory_space<vmem>>, vector<16xf32>,
    %swap3A_11 = vector.shape_cast %swap3A_10 : vector<16xf32> to vector<16xf32>
    %swap3A_12 = vector.shape_cast %broadcast_in_dim3A_8 : vector<16xf32> to vector<16xf32>
    tpu.vector_store %arg6[%swap3A_9], %swap3A_12 {strides = array<i32>} : memref<128xf32, #tpu.memory_space<vmem>>, vector<16xf32>,
    %broadcast_in_dim3A_13 = arith.constant 1.000000e+00 : f32
    %broadcast_in_dim3A_14 = vector.broadcast %broadcast_in_dim3A_13 : f32 to vector<16xf32>
    %swap3A_15 = arith.constant 32 : index
    %swap3A_16 = tpu.vector_load %arg6[%swap3A_15] {strides = array<i32>} : memref<128xf32, #tpu.memory_space<vmem>>, vector<16xf32>,
    %swap3A_17 = vector.shape_cast %swap3A_16 : vector<16xf32> to vector<16xf32>
    %swap3A_18 = vector.shape_cast %broadcast_in_dim3A_14 : vector<16xf32> to vector<16xf32>
    tpu.vector_store %arg6[%swap3A_15], %swap3A_18 {strides = array<i32>} : memref<128xf32, #tpu.memory_space<vmem>>, vector<16xf32>,
    %broadcast_in_dim3A_19 = arith.constant 1.000000e+00 : f32
    %broadcast_in_dim3A_20 = vector.broadcast %broadcast_in_dim3A_19 : f32 to vector<16xf32>
    %swap3A_21 = arith.constant 48 : index
    %swap3A_22 = tpu.vector_load %arg6[%swap3A_21] {strides = array<i32>} : memref<128xf32, #tpu.memory_space<vmem>>, vector<16xf32>,
    %swap3A_23 = vector.shape_cast %swap3A_22 : vector<16xf32> to vector<16xf32>
    %swap3A_24 = vector.shape_cast %broadcast_in_dim3A_20 : vector<16xf32> to vector<16xf32>
    tpu.vector_store %arg6[%swap3A_21], %swap3A_24 {strides = array<i32>} : memref<128xf32, #tpu.memory_space<vmem>>, vector<16xf32>,
    %broadcast_in_dim3A_25 = arith.constant 1.000000e+00 : f32
    %broadcast_in_dim3A_26 = vector.broadcast %broadcast_in_dim3A_25 : f32 to vector<16xf32>
    %swap3A_27 = arith.constant 64 : index
    %swap3A_28 = tpu.vector_load %arg6[%swap3A_27] {strides = array<i32>} : memref<128xf32, #tpu.memory_space<vmem>>, vector<16xf32>,
    %swap3A_29 = vector.shape_cast %swap3A_28 : vector<16xf32> to vector<16xf32>
    %swap3A_30 = vector.shape_cast %broadcast_in_dim3A_26 : vector<16xf32> to vector<16xf32>
    tpu.vector_store %arg6[%swap3A_27], %swap3A_30 {strides = array<i32>} : memref<128xf32, #tpu.memory_space<vmem>>, vector<16xf32>,
    %broadcast_in_dim3A_31 = arith.constant 1.000000e+00 : f32
    %broadcast_in_dim3A_32 = vector.broadcast %broadcast_in_dim3A_31 : f32 to vector<16xf32>
    %swap3A_33 = arith.constant 80 : index
    %swap3A_34 = tpu.vector_load %arg6[%swap3A_33] {strides = array<i32>} : memref<128xf32, #tpu.memory_space<vmem>>, vector<16xf32>,
    %swap3A_35 = vector.shape_cast %swap3A_34 : vector<16xf32> to vector<16xf32>
    %swap3A_36 = vector.shape_cast %broadcast_in_dim3A_32 : vector<16xf32> to vector<16xf32>
    tpu.vector_store %arg6[%swap3A_33], %swap3A_36 {strides = array<i32>} : memref<128xf32, #tpu.memory_space<vmem>>, vector<16xf32>,
    %broadcast_in_dim3A_37 = arith.constant 1.000000e+00 : f32
    %broadcast_in_dim3A_38 = vector.broadcast %broadcast_in_dim3A_37 : f32 to vector<16xf32>
    %swap3A_39 = arith.constant 96 : index
    %swap3A_40 = tpu.vector_load %arg6[%swap3A_39] {strides = array<i32>} : memref<128xf32, #tpu.memory_space<vmem>>, vector<16xf32>,
    %swap3A_41 = vector.shape_cast %swap3A_40 : vector<16xf32> to vector<16xf32>
    %swap3A_42 = vector.shape_cast %broadcast_in_dim3A_38 : vector<16xf32> to vector<16xf32>
    tpu.vector_store %arg6[%swap3A_39], %swap3A_42 {strides = array<i32>} : memref<128xf32, #tpu.memory_space<vmem>>, vector<16xf32>,
    %broadcast_in_dim3A_43 = arith.constant 1.000000e+00 : f32
    %broadcast_in_dim3A_44 = vector.broadcast %broadcast_in_dim3A_43 : f32 to vector<16xf32>
    %swap3A_45 = arith.constant 112 : index
    %swap3A_46 = tpu.vector_load %arg6[%swap3A_45] {strides = array<i32>} : memref<128xf32, #tpu.memory_space<vmem>>, vector<16xf32>,
    %swap3A_47 = vector.shape_cast %swap3A_46 : vector<16xf32> to vector<16xf32>
    %swap3A_48 = vector.shape_cast %broadcast_in_dim3A_44 : vector<16xf32> to vector<16xf32>
    tpu.vector_store %arg6[%swap3A_45], %swap3A_48 {strides = array<i32>} : memref<128xf32, #tpu.memory_space<vmem>>, vector<16xf32>,
    %barrier3A = arith.constant 0 : index
    tpu.barrier barrier_id(%barrier3A)
    %scan3A = arith.constant 0 : i32
    %scan3A_49 = arith.constant 0 : i32
    %scan3A_50 = arith.constant 80 : i32
    %scan3A_51 = arith.addi %scan3A_49, %scan3A_50 : i32
    %scan3A_52 = arith.constant 1 : i32
    scf.for %scan3A_59 = %scan3A_49 to %scan3A_51 step %scan3A_52  : i32 {
      "tpu.region"() ({
        %run_scoped3A = tpu.sem_alloc : memref<!tpu.dma_semaphore, #tpu.memory_space<semaphore_mem>>
        %dma_start3A = arith.constant 0 : i32
        %dma_start3A_60 = tpu.memref_slice %arg5[%scan3A_59, %dma_start3A] : memref<80x128xi32, #tpu.memory_space<vmem>> -> memref<1x128xi32, #tpu.memory_space<vmem>>
        %dma_start3A_61 = tpu.memref_squeeze %dma_start3A_60 : memref<1x128xi32, #tpu.memory_space<vmem>> -> memref<128xi32, #tpu.memory_space<vmem>>
        %dma_start3A_62 = arith.constant 0 : i32
        %dma_start3A_63 = tpu.memref_slice %arg7[%dma_start3A_62] : memref<10240xf32, #tpu.memory_space<vmem_shared>> -> memref<10240xf32, #tpu.memory_space<vmem_shared>>
        tpu.enqueue_indirect_dma source(%arg6 : memref<128xf32, #tpu.memory_space<vmem>>) target(%dma_start3A_63 : memref<10240xf32, #tpu.memory_space<vmem_shared>>) offsets(%dma_start3A_61 : memref<128xi32, #tpu.memory_space<vmem>>) semaphore(%run_scoped3A : memref<!tpu.dma_semaphore, #tpu.memory_space<semaphore_mem>>) {add = true}
        %dma_wait3A = arith.constant 0 : i32
        %dma_wait3A_64 = tpu.memref_slice %arg5[%scan3A_59, %dma_wait3A] : memref<80x128xi32, #tpu.memory_space<vmem>> -> memref<1x128xi32, #tpu.memory_space<vmem>>
        %dma_wait3A_65 = tpu.memref_squeeze %dma_wait3A_64 : memref<1x128xi32, #tpu.memory_space<vmem>> -> memref<128xi32, #tpu.memory_space<vmem>>
        %dma_wait3A_66 = arith.constant 0 : i32
        %dma_wait3A_67 = tpu.memref_slice %arg7[%dma_wait3A_66] : memref<10240xf32, #tpu.memory_space<vmem_shared>> -> memref<10240xf32, #tpu.memory_space<vmem_shared>>
        tpu.wait_indirect_dma semaphore(%run_scoped3A : memref<!tpu.dma_semaphore, #tpu.memory_space<semaphore_mem>>) src(%arg6 : memref<128xf32, #tpu.memory_space<vmem>>) dst(%dma_wait3A_67 : memref<10240xf32, #tpu.memory_space<vmem_shared>>)
        tpu.yield
      }) : () -> ()
    }
    %scan3A_53 = arith.constant 80 : i32
    %barrier3A_54 = arith.constant 0 : index
    tpu.barrier barrier_id(%barrier3A_54)
    %mul3A_55 = arith.constant 640 : i32
    %mul3A_56 = arith.muli %arg1, %mul3A_55 : i32
    %mul3A_57 = arith.constant 640 : i32
    %mul3A_58 = arith.muli %arg1, %mul3A_57 : i32
    "tpu.region"() ({
      %run_scoped3A = tpu.sem_alloc : memref<!tpu.dma_semaphore, #tpu.memory_space<semaphore_mem>>
      %dma_start3A = tpu.memref_slice %arg4[%arg0, %mul3A_58] : memref<2x10240xf32, #tpu.memory_space<hbm>> -> memref<1x640xf32, #tpu.memory_space<hbm>>
      %dma_start3A_59 = tpu.memref_squeeze %dma_start3A : memref<1x640xf32, #tpu.memory_space<hbm>> -> memref<640xf32, #tpu.memory_space<hbm>>
      %dma_start3A_60 = tpu.memref_slice %arg7[%mul3A_56] : memref<10240xf32, #tpu.memory_space<vmem_shared>> -> memref<640xf32, #tpu.memory_space<vmem_shared>>
      tpu.enqueue_dma source(%dma_start3A_60 : memref<640xf32, #tpu.memory_space<vmem_shared>>) target(%dma_start3A_59 : memref<640xf32, #tpu.memory_space<hbm>>) target_semaphore(%run_scoped3A : memref<!tpu.dma_semaphore, #tpu.memory_space<semaphore_mem>>)
      %dma_wait3A = tpu.memref_slice %arg4[%arg0, %mul3A_58] : memref<2x10240xf32, #tpu.memory_space<hbm>> -> memref<1x640xf32, #tpu.memory_space<hbm>>
      %dma_wait3A_61 = tpu.memref_squeeze %dma_wait3A : memref<1x640xf32, #tpu.memory_space<hbm>> -> memref<640xf32, #tpu.memory_space<hbm>>
      %dma_wait3A_62 = tpu.memref_slice %arg7[%mul3A_56] : memref<10240xf32, #tpu.memory_space<vmem_shared>> -> memref<640xf32, #tpu.memory_space<vmem_shared>>
      tpu.wait_dma2 semaphore(%run_scoped3A : memref<!tpu.dma_semaphore, #tpu.memory_space<semaphore_mem>>) src(%dma_wait3A_62 : memref<640xf32, #tpu.memory_space<vmem_shared>>) dst(%dma_wait3A_61 : memref<640xf32, #tpu.memory_space<hbm>>)
      tpu.yield
    }) : () -> ()
    return
  }
}

#map = affine_map<(d0, d1) -> (0, 0)>
#map1 = affine_map<(d0, d1) -> (0, 0, 0, 0)>
#map2 = affine_map<(d0, d1) -> (0, 0, 0)>
module attributes {stable_mosaic.version = 14 : i64} {
  func.func @agg_kernel(%arg0: i32, %arg1: i32, %arg2: memref<10240x128xf32, #tpu.memory_space<hbm>>, %arg3: memref<32x80x2x128xi32, #tpu.memory_space<hbm>>, %arg4: memref<640x128xf32, #tpu.memory_space<hbm>>, %arg5: memref<2x10240x128xf32, #tpu.memory_space<hbm>>, %arg6: memref<2x128xi32, #tpu.memory_space<vmem>>, %arg7: memref<2x128xi32, #tpu.memory_space<vmem>>, %arg8: memref<128x128xf32, #tpu.memory_space<vmem>>, %arg9: memref<128x128xf32, #tpu.memory_space<vmem>>, %arg10: memref<!tpu.dma_semaphore, #tpu.memory_space<semaphore_mem>>, %arg11: memref<!tpu.dma_semaphore, #tpu.memory_space<semaphore_mem>>, %arg12: memref<!tpu.dma_semaphore, #tpu.memory_space<semaphore_mem>>, %arg13: memref<!tpu.dma_semaphore, #tpu.memory_space<semaphore_mem>>, %arg14: memref<10240x128xf32, #tpu.memory_space<vmem_shared>>) attributes {dimension_semantics = [#tpu.dimension_semantics<core_parallel>, #tpu.dimension_semantics<subcore_parallel>], iteration_bounds = array<i64: 2, 16>, scalar_prefetch = 0 : i64, scratch_operands = 9 : i64, tpu.core_type = #tpu.core_type<sc_vector_subcore>, window_params = [{transform_indices = #map}, {transform_indices = #map1}, {transform_indices = #map}, {transform_indices = #map2}]} {
    %mul3A = arith.constant 2 : i32
    %mul3A_0 = arith.muli %arg1, %mul3A : i32
    %add3A = arith.addi %mul3A_0, %arg0 : i32
    %mul3A_1 = arith.constant 640 : i32
    %mul3A_2 = arith.muli %arg1, %mul3A_1 : i32
    "tpu.region"() ({
      %run_scoped3A = tpu.sem_alloc : memref<!tpu.dma_semaphore, #tpu.memory_space<semaphore_mem>>
      %dma_start3A_45 = arith.constant 0 : i32
      %dma_start3A_46 = tpu.memref_slice %arg14[%mul3A_2, %dma_start3A_45] : memref<10240x128xf32, #tpu.memory_space<vmem_shared>> -> memref<640x128xf32, #tpu.memory_space<vmem_shared>>
      tpu.enqueue_dma source(%arg4 : memref<640x128xf32, #tpu.memory_space<hbm>>) target(%dma_start3A_46 : memref<640x128xf32, #tpu.memory_space<vmem_shared>>) target_semaphore(%run_scoped3A : memref<!tpu.dma_semaphore, #tpu.memory_space<semaphore_mem>>)
      %dma_wait3A_47 = arith.constant 0 : i32
      %dma_wait3A_48 = tpu.memref_slice %arg14[%mul3A_2, %dma_wait3A_47] : memref<10240x128xf32, #tpu.memory_space<vmem_shared>> -> memref<640x128xf32, #tpu.memory_space<vmem_shared>>
      tpu.wait_dma2 semaphore(%run_scoped3A : memref<!tpu.dma_semaphore, #tpu.memory_space<semaphore_mem>>) src(%arg4 : memref<640x128xf32, #tpu.memory_space<hbm>>) dst(%dma_wait3A_48 : memref<640x128xf32, #tpu.memory_space<vmem_shared>>)
      tpu.yield
    }) : () -> ()
    %barrier3A = arith.constant 0 : index
    tpu.barrier barrier_id(%barrier3A)
    %dma_start3A = arith.constant 0 : i32
    %dma_start3A_3 = arith.constant 0 : i32
    %dma_start3A_4 = arith.constant 0 : i32
    %dma_start3A_5 = tpu.memref_slice %arg3[%add3A, %dma_start3A, %dma_start3A_3, %dma_start3A_4] : memref<32x80x2x128xi32, #tpu.memory_space<hbm>> -> memref<1x1x2x128xi32, #tpu.memory_space<hbm>>
    %dma_start3A_6 = tpu.memref_squeeze %dma_start3A_5 : memref<1x1x2x128xi32, #tpu.memory_space<hbm>> -> memref<2x128xi32, #tpu.memory_space<hbm>>
    %dma_start3A_7 = arith.constant 0 : i32
    %dma_start3A_8 = arith.constant 0 : i32
    %dma_start3A_9 = tpu.memref_slice %arg3[%add3A, %dma_start3A, %dma_start3A_7, %dma_start3A_8] : memref<32x80x2x128xi32, #tpu.memory_space<hbm>> -> memref<1x1x2x128xi32, #tpu.memory_space<hbm>>
    %dma_start3A_10 = tpu.memref_squeeze %dma_start3A_9 : memref<1x1x2x128xi32, #tpu.memory_space<hbm>> -> memref<2x128xi32, #tpu.memory_space<hbm>>
    tpu.enqueue_dma source(%dma_start3A_10 : memref<2x128xi32, #tpu.memory_space<hbm>>) target(%arg6 : memref<2x128xi32, #tpu.memory_space<vmem>>) target_semaphore(%arg10 : memref<!tpu.dma_semaphore, #tpu.memory_space<semaphore_mem>>)
    %dma_start3A_11 = arith.constant 1 : i32
    %dma_start3A_12 = arith.constant 0 : i32
    %dma_start3A_13 = arith.constant 0 : i32
    %dma_start3A_14 = tpu.memref_slice %arg3[%add3A, %dma_start3A_11, %dma_start3A_12, %dma_start3A_13] : memref<32x80x2x128xi32, #tpu.memory_space<hbm>> -> memref<1x1x2x128xi32, #tpu.memory_space<hbm>>
    %dma_start3A_15 = tpu.memref_squeeze %dma_start3A_14 : memref<1x1x2x128xi32, #tpu.memory_space<hbm>> -> memref<2x128xi32, #tpu.memory_space<hbm>>
    %dma_start3A_16 = arith.constant 0 : i32
    %dma_start3A_17 = arith.constant 0 : i32
    %dma_start3A_18 = tpu.memref_slice %arg3[%add3A, %dma_start3A_11, %dma_start3A_16, %dma_start3A_17] : memref<32x80x2x128xi32, #tpu.memory_space<hbm>> -> memref<1x1x2x128xi32, #tpu.memory_space<hbm>>
    %dma_start3A_19 = tpu.memref_squeeze %dma_start3A_18 : memref<1x1x2x128xi32, #tpu.memory_space<hbm>> -> memref<2x128xi32, #tpu.memory_space<hbm>>
    tpu.enqueue_dma source(%dma_start3A_19 : memref<2x128xi32, #tpu.memory_space<hbm>>) target(%arg7 : memref<2x128xi32, #tpu.memory_space<vmem>>) target_semaphore(%arg11 : memref<!tpu.dma_semaphore, #tpu.memory_space<semaphore_mem>>)
    %dma_wait3A = arith.constant 0 : i32
    %dma_wait3A_20 = arith.constant 0 : i32
    %dma_wait3A_21 = arith.constant 0 : i32
    %dma_wait3A_22 = tpu.memref_slice %arg3[%add3A, %dma_wait3A, %dma_wait3A_20, %dma_wait3A_21] : memref<32x80x2x128xi32, #tpu.memory_space<hbm>> -> memref<1x1x2x128xi32, #tpu.memory_space<hbm>>
    %dma_wait3A_23 = tpu.memref_squeeze %dma_wait3A_22 : memref<1x1x2x128xi32, #tpu.memory_space<hbm>> -> memref<2x128xi32, #tpu.memory_space<hbm>>
    %dma_wait3A_24 = arith.constant 0 : i32
    %dma_wait3A_25 = arith.constant 0 : i32
    %dma_wait3A_26 = tpu.memref_slice %arg3[%add3A, %dma_wait3A, %dma_wait3A_24, %dma_wait3A_25] : memref<32x80x2x128xi32, #tpu.memory_space<hbm>> -> memref<1x1x2x128xi32, #tpu.memory_space<hbm>>
    %dma_wait3A_27 = tpu.memref_squeeze %dma_wait3A_26 : memref<1x1x2x128xi32, #tpu.memory_space<hbm>> -> memref<2x128xi32, #tpu.memory_space<hbm>>
    tpu.wait_dma2 semaphore(%arg10 : memref<!tpu.dma_semaphore, #tpu.memory_space<semaphore_mem>>) src(%dma_wait3A_27 : memref<2x128xi32, #tpu.memory_space<hbm>>) dst(%arg6 : memref<2x128xi32, #tpu.memory_space<vmem>>)
    %dma_start3A_28 = arith.constant 0 : i32
    %dma_start3A_29 = arith.constant 0 : i32
    %dma_start3A_30 = tpu.memref_slice %arg6[%dma_start3A_28, %dma_start3A_29] : memref<2x128xi32, #tpu.memory_space<vmem>> -> memref<1x128xi32, #tpu.memory_space<vmem>>
    %dma_start3A_31 = tpu.memref_squeeze %dma_start3A_30 : memref<1x128xi32, #tpu.memory_space<vmem>> -> memref<128xi32, #tpu.memory_space<vmem>>
    %dma_start3A_32 = arith.constant 0 : i32
    %dma_start3A_33 = arith.constant 0 : i32
    %dma_start3A_34 = tpu.memref_slice %arg2[%dma_start3A_32, %dma_start3A_33] : memref<10240x128xf32, #tpu.memory_space<hbm>> -> memref<10240x128xf32, #tpu.memory_space<hbm>>
    tpu.enqueue_indirect_dma source(%dma_start3A_34 : memref<10240x128xf32, #tpu.memory_space<hbm>>) target(%arg8 : memref<128x128xf32, #tpu.memory_space<vmem>>) offsets(%dma_start3A_31 : memref<128xi32, #tpu.memory_space<vmem>>) semaphore(%arg12 : memref<!tpu.dma_semaphore, #tpu.memory_space<semaphore_mem>>)
    %scan3A = arith.constant 0 : i32
    %scan3A_35 = arith.constant 0 : i32
    %scan3A_36 = arith.constant 40 : i32
    %scan3A_37 = arith.addi %scan3A_35, %scan3A_36 : i32
    %scan3A_38 = arith.constant 1 : i32
    scf.for %scan3A_45 = %scan3A_35 to %scan3A_37 step %scan3A_38  : i32 {
      %mul3A_46 = arith.constant 2 : i32
      %mul3A_47 = arith.muli %mul3A_46, %scan3A_45 : i32
      %dma_wait3A_48 = arith.constant 0 : i32
      %dma_wait3A_49 = arith.constant 0 : i32
      %dma_wait3A_50 = tpu.memref_slice %arg3[%add3A, %mul3A_47, %dma_wait3A_48, %dma_wait3A_49] : memref<32x80x2x128xi32, #tpu.memory_space<hbm>> -> memref<1x1x2x128xi32, #tpu.memory_space<hbm>>
      %dma_wait3A_51 = tpu.memref_squeeze %dma_wait3A_50 : memref<1x1x2x128xi32, #tpu.memory_space<hbm>> -> memref<2x128xi32, #tpu.memory_space<hbm>>
      %dma_wait3A_52 = arith.constant 0 : i32
      %dma_wait3A_53 = arith.constant 0 : i32
      %dma_wait3A_54 = tpu.memref_slice %arg3[%add3A, %mul3A_47, %dma_wait3A_52, %dma_wait3A_53] : memref<32x80x2x128xi32, #tpu.memory_space<hbm>> -> memref<1x1x2x128xi32, #tpu.memory_space<hbm>>
      %dma_wait3A_55 = tpu.memref_squeeze %dma_wait3A_54 : memref<1x1x2x128xi32, #tpu.memory_space<hbm>> -> memref<2x128xi32, #tpu.memory_space<hbm>>
      tpu.wait_dma2 semaphore(%arg11 : memref<!tpu.dma_semaphore, #tpu.memory_space<semaphore_mem>>) src(%dma_wait3A_55 : memref<2x128xi32, #tpu.memory_space<hbm>>) dst(%arg7 : memref<2x128xi32, #tpu.memory_space<vmem>>)
      %dma_wait3A_56 = arith.constant 0 : i32
      %dma_wait3A_57 = arith.constant 0 : i32
      %dma_wait3A_58 = tpu.memref_slice %arg6[%dma_wait3A_56, %dma_wait3A_57] : memref<2x128xi32, #tpu.memory_space<vmem>> -> memref<1x128xi32, #tpu.memory_space<vmem>>
      %dma_wait3A_59 = tpu.memref_squeeze %dma_wait3A_58 : memref<1x128xi32, #tpu.memory_space<vmem>> -> memref<128xi32, #tpu.memory_space<vmem>>
      %dma_wait3A_60 = arith.constant 0 : i32
      %dma_wait3A_61 = arith.constant 0 : i32
      %dma_wait3A_62 = tpu.memref_slice %arg2[%dma_wait3A_60, %dma_wait3A_61] : memref<10240x128xf32, #tpu.memory_space<hbm>> -> memref<10240x128xf32, #tpu.memory_space<hbm>>
      tpu.wait_indirect_dma semaphore(%arg12 : memref<!tpu.dma_semaphore, #tpu.memory_space<semaphore_mem>>) src(%dma_wait3A_62 : memref<10240x128xf32, #tpu.memory_space<hbm>>) dst(%arg8 : memref<128x128xf32, #tpu.memory_space<vmem>>)
      %dma_start3A_63 = arith.constant 0 : i32
      %dma_start3A_64 = arith.constant 0 : i32
      %dma_start3A_65 = tpu.memref_slice %arg7[%dma_start3A_63, %dma_start3A_64] : memref<2x128xi32, #tpu.memory_space<vmem>> -> memref<1x128xi32, #tpu.memory_space<vmem>>
      %dma_start3A_66 = tpu.memref_squeeze %dma_start3A_65 : memref<1x128xi32, #tpu.memory_space<vmem>> -> memref<128xi32, #tpu.memory_space<vmem>>
      %dma_start3A_67 = arith.constant 0 : i32
      %dma_start3A_68 = arith.constant 0 : i32
      %dma_start3A_69 = tpu.memref_slice %arg2[%dma_start3A_67, %dma_start3A_68] : memref<10240x128xf32, #tpu.memory_space<hbm>> -> memref<10240x128xf32, #tpu.memory_space<hbm>>
      tpu.enqueue_indirect_dma source(%dma_start3A_69 : memref<10240x128xf32, #tpu.memory_space<hbm>>) target(%arg9 : memref<128x128xf32, #tpu.memory_space<vmem>>) offsets(%dma_start3A_66 : memref<128xi32, #tpu.memory_space<vmem>>) semaphore(%arg13 : memref<!tpu.dma_semaphore, #tpu.memory_space<semaphore_mem>>)
      %run_scoped3A = arith.constant 1 : i32
      "tpu.region"() ({
        %run_scoped3A_96 = tpu.sem_alloc : memref<!tpu.dma_semaphore, #tpu.memory_space<semaphore_mem>>
        %dma_start3A_97 = arith.constant 0 : i32
        %dma_start3A_98 = tpu.memref_slice %arg6[%run_scoped3A, %dma_start3A_97] : memref<2x128xi32, #tpu.memory_space<vmem>> -> memref<1x128xi32, #tpu.memory_space<vmem>>
        %dma_start3A_99 = tpu.memref_squeeze %dma_start3A_98 : memref<1x128xi32, #tpu.memory_space<vmem>> -> memref<128xi32, #tpu.memory_space<vmem>>
        %dma_start3A_100 = arith.constant 0 : i32
        %dma_start3A_101 = arith.constant 0 : i32
        %dma_start3A_102 = tpu.memref_slice %arg14[%dma_start3A_100, %dma_start3A_101] : memref<10240x128xf32, #tpu.memory_space<vmem_shared>> -> memref<10240x128xf32, #tpu.memory_space<vmem_shared>>
        tpu.enqueue_indirect_dma source(%arg8 : memref<128x128xf32, #tpu.memory_space<vmem>>) target(%dma_start3A_102 : memref<10240x128xf32, #tpu.memory_space<vmem_shared>>) offsets(%dma_start3A_99 : memref<128xi32, #tpu.memory_space<vmem>>) semaphore(%run_scoped3A_96 : memref<!tpu.dma_semaphore, #tpu.memory_space<semaphore_mem>>) {add = true}
        %dma_wait3A_103 = arith.constant 0 : i32
        %dma_wait3A_104 = tpu.memref_slice %arg6[%run_scoped3A, %dma_wait3A_103] : memref<2x128xi32, #tpu.memory_space<vmem>> -> memref<1x128xi32, #tpu.memory_space<vmem>>
        %dma_wait3A_105 = tpu.memref_squeeze %dma_wait3A_104 : memref<1x128xi32, #tpu.memory_space<vmem>> -> memref<128xi32, #tpu.memory_space<vmem>>
        %dma_wait3A_106 = arith.constant 0 : i32
        %dma_wait3A_107 = arith.constant 0 : i32
        %dma_wait3A_108 = tpu.memref_slice %arg14[%dma_wait3A_106, %dma_wait3A_107] : memref<10240x128xf32, #tpu.memory_space<vmem_shared>> -> memref<10240x128xf32, #tpu.memory_space<vmem_shared>>
        tpu.wait_indirect_dma semaphore(%run_scoped3A_96 : memref<!tpu.dma_semaphore, #tpu.memory_space<semaphore_mem>>) src(%arg8 : memref<128x128xf32, #tpu.memory_space<vmem>>) dst(%dma_wait3A_108 : memref<10240x128xf32, #tpu.memory_space<vmem_shared>>)
        tpu.yield
      }) : () -> ()
      %add3A_70 = arith.constant 1 : i32
      %add3A_71 = arith.addi %scan3A_45, %add3A_70 : i32
      %lt3A = arith.constant 40 : i32
      %lt3A_72 = arith.cmpi slt, %add3A_71, %lt3A : i32
      %convert_element_type3A = arith.extui %lt3A_72 : i1 to i32
      %cond3A = arith.constant 0 : i32
      %cond3A_73 = arith.cmpi ne, %convert_element_type3A, %cond3A : i32
      scf.if %cond3A_73 {
        %add3A_96 = arith.constant 2 : i32
        %add3A_97 = arith.addi %mul3A_47, %add3A_96 : i32
        %dma_start3A_98 = arith.constant 0 : i32
        %dma_start3A_99 = arith.constant 0 : i32
        %dma_start3A_100 = tpu.memref_slice %arg3[%add3A, %add3A_97, %dma_start3A_98, %dma_start3A_99] : memref<32x80x2x128xi32, #tpu.memory_space<hbm>> -> memref<1x1x2x128xi32, #tpu.memory_space<hbm>>
        %dma_start3A_101 = tpu.memref_squeeze %dma_start3A_100 : memref<1x1x2x128xi32, #tpu.memory_space<hbm>> -> memref<2x128xi32, #tpu.memory_space<hbm>>
        %dma_start3A_102 = arith.constant 0 : i32
        %dma_start3A_103 = arith.constant 0 : i32
        %dma_start3A_104 = tpu.memref_slice %arg3[%add3A, %add3A_97, %dma_start3A_102, %dma_start3A_103] : memref<32x80x2x128xi32, #tpu.memory_space<hbm>> -> memref<1x1x2x128xi32, #tpu.memory_space<hbm>>
        %dma_start3A_105 = tpu.memref_squeeze %dma_start3A_104 : memref<1x1x2x128xi32, #tpu.memory_space<hbm>> -> memref<2x128xi32, #tpu.memory_space<hbm>>
        tpu.enqueue_dma source(%dma_start3A_105 : memref<2x128xi32, #tpu.memory_space<hbm>>) target(%arg6 : memref<2x128xi32, #tpu.memory_space<vmem>>) target_semaphore(%arg10 : memref<!tpu.dma_semaphore, #tpu.memory_space<semaphore_mem>>)
      } else {
      }
      %dma_wait3A_74 = arith.constant 0 : i32
      %dma_wait3A_75 = arith.constant 0 : i32
      %dma_wait3A_76 = tpu.memref_slice %arg7[%dma_wait3A_74, %dma_wait3A_75] : memref<2x128xi32, #tpu.memory_space<vmem>> -> memref<1x128xi32, #tpu.memory_space<vmem>>
      %dma_wait3A_77 = tpu.memref_squeeze %dma_wait3A_76 : memref<1x128xi32, #tpu.memory_space<vmem>> -> memref<128xi32, #tpu.memory_space<vmem>>
      %dma_wait3A_78 = arith.constant 0 : i32
      %dma_wait3A_79 = arith.constant 0 : i32
      %dma_wait3A_80 = tpu.memref_slice %arg2[%dma_wait3A_78, %dma_wait3A_79] : memref<10240x128xf32, #tpu.memory_space<hbm>> -> memref<10240x128xf32, #tpu.memory_space<hbm>>
      tpu.wait_indirect_dma semaphore(%arg13 : memref<!tpu.dma_semaphore, #tpu.memory_space<semaphore_mem>>) src(%dma_wait3A_80 : memref<10240x128xf32, #tpu.memory_space<hbm>>) dst(%arg9 : memref<128x128xf32, #tpu.memory_space<vmem>>)
      %add3A_81 = arith.constant 1 : i32
      %add3A_82 = arith.addi %scan3A_45, %add3A_81 : i32
      %lt3A_83 = arith.constant 40 : i32
      %lt3A_84 = arith.cmpi slt, %add3A_82, %lt3A_83 : i32
      %convert_element_type3A_85 = arith.extui %lt3A_84 : i1 to i32
      %cond3A_86 = arith.constant 0 : i32
      %cond3A_87 = arith.cmpi ne, %convert_element_type3A_85, %cond3A_86 : i32
      scf.if %cond3A_87 {
        %add3A_96 = arith.constant 2 : i32
        %add3A_97 = arith.addi %mul3A_47, %add3A_96 : i32
        %dma_wait3A_98 = arith.constant 0 : i32
        %dma_wait3A_99 = arith.constant 0 : i32
        %dma_wait3A_100 = tpu.memref_slice %arg3[%add3A, %add3A_97, %dma_wait3A_98, %dma_wait3A_99] : memref<32x80x2x128xi32, #tpu.memory_space<hbm>> -> memref<1x1x2x128xi32, #tpu.memory_space<hbm>>
        %dma_wait3A_101 = tpu.memref_squeeze %dma_wait3A_100 : memref<1x1x2x128xi32, #tpu.memory_space<hbm>> -> memref<2x128xi32, #tpu.memory_space<hbm>>
        %dma_wait3A_102 = arith.constant 0 : i32
        %dma_wait3A_103 = arith.constant 0 : i32
        %dma_wait3A_104 = tpu.memref_slice %arg3[%add3A, %add3A_97, %dma_wait3A_102, %dma_wait3A_103] : memref<32x80x2x128xi32, #tpu.memory_space<hbm>> -> memref<1x1x2x128xi32, #tpu.memory_space<hbm>>
        %dma_wait3A_105 = tpu.memref_squeeze %dma_wait3A_104 : memref<1x1x2x128xi32, #tpu.memory_space<hbm>> -> memref<2x128xi32, #tpu.memory_space<hbm>>
        tpu.wait_dma2 semaphore(%arg10 : memref<!tpu.dma_semaphore, #tpu.memory_space<semaphore_mem>>) src(%dma_wait3A_105 : memref<2x128xi32, #tpu.memory_space<hbm>>) dst(%arg6 : memref<2x128xi32, #tpu.memory_space<vmem>>)
        %dma_start3A_106 = arith.constant 0 : i32
        %dma_start3A_107 = arith.constant 0 : i32
        %dma_start3A_108 = tpu.memref_slice %arg6[%dma_start3A_106, %dma_start3A_107] : memref<2x128xi32, #tpu.memory_space<vmem>> -> memref<1x128xi32, #tpu.memory_space<vmem>>
        %dma_start3A_109 = tpu.memref_squeeze %dma_start3A_108 : memref<1x128xi32, #tpu.memory_space<vmem>> -> memref<128xi32, #tpu.memory_space<vmem>>
        %dma_start3A_110 = arith.constant 0 : i32
        %dma_start3A_111 = arith.constant 0 : i32
        %dma_start3A_112 = tpu.memref_slice %arg2[%dma_start3A_110, %dma_start3A_111] : memref<10240x128xf32, #tpu.memory_space<hbm>> -> memref<10240x128xf32, #tpu.memory_space<hbm>>
        tpu.enqueue_indirect_dma source(%dma_start3A_112 : memref<10240x128xf32, #tpu.memory_space<hbm>>) target(%arg8 : memref<128x128xf32, #tpu.memory_space<vmem>>) offsets(%dma_start3A_109 : memref<128xi32, #tpu.memory_space<vmem>>) semaphore(%arg12 : memref<!tpu.dma_semaphore, #tpu.memory_space<semaphore_mem>>)
      } else {
      }
      %run_scoped3A_88 = arith.constant 1 : i32
      "tpu.region"() ({
        %run_scoped3A_96 = tpu.sem_alloc : memref<!tpu.dma_semaphore, #tpu.memory_space<semaphore_mem>>
        %dma_start3A_97 = arith.constant 0 : i32
        %dma_start3A_98 = tpu.memref_slice %arg7[%run_scoped3A_88, %dma_start3A_97] : memref<2x128xi32, #tpu.memory_space<vmem>> -> memref<1x128xi32, #tpu.memory_space<vmem>>
        %dma_start3A_99 = tpu.memref_squeeze %dma_start3A_98 : memref<1x128xi32, #tpu.memory_space<vmem>> -> memref<128xi32, #tpu.memory_space<vmem>>
        %dma_start3A_100 = arith.constant 0 : i32
        %dma_start3A_101 = arith.constant 0 : i32
        %dma_start3A_102 = tpu.memref_slice %arg14[%dma_start3A_100, %dma_start3A_101] : memref<10240x128xf32, #tpu.memory_space<vmem_shared>> -> memref<10240x128xf32, #tpu.memory_space<vmem_shared>>
        tpu.enqueue_indirect_dma source(%arg9 : memref<128x128xf32, #tpu.memory_space<vmem>>) target(%dma_start3A_102 : memref<10240x128xf32, #tpu.memory_space<vmem_shared>>) offsets(%dma_start3A_99 : memref<128xi32, #tpu.memory_space<vmem>>) semaphore(%run_scoped3A_96 : memref<!tpu.dma_semaphore, #tpu.memory_space<semaphore_mem>>) {add = true}
        %dma_wait3A_103 = arith.constant 0 : i32
        %dma_wait3A_104 = tpu.memref_slice %arg7[%run_scoped3A_88, %dma_wait3A_103] : memref<2x128xi32, #tpu.memory_space<vmem>> -> memref<1x128xi32, #tpu.memory_space<vmem>>
        %dma_wait3A_105 = tpu.memref_squeeze %dma_wait3A_104 : memref<1x128xi32, #tpu.memory_space<vmem>> -> memref<128xi32, #tpu.memory_space<vmem>>
        %dma_wait3A_106 = arith.constant 0 : i32
        %dma_wait3A_107 = arith.constant 0 : i32
        %dma_wait3A_108 = tpu.memref_slice %arg14[%dma_wait3A_106, %dma_wait3A_107] : memref<10240x128xf32, #tpu.memory_space<vmem_shared>> -> memref<10240x128xf32, #tpu.memory_space<vmem_shared>>
        tpu.wait_indirect_dma semaphore(%run_scoped3A_96 : memref<!tpu.dma_semaphore, #tpu.memory_space<semaphore_mem>>) src(%arg9 : memref<128x128xf32, #tpu.memory_space<vmem>>) dst(%dma_wait3A_108 : memref<10240x128xf32, #tpu.memory_space<vmem_shared>>)
        tpu.yield
      }) : () -> ()
      %add3A_89 = arith.constant 1 : i32
      %add3A_90 = arith.addi %scan3A_45, %add3A_89 : i32
      %lt3A_91 = arith.constant 40 : i32
      %lt3A_92 = arith.cmpi slt, %add3A_90, %lt3A_91 : i32
      %convert_element_type3A_93 = arith.extui %lt3A_92 : i1 to i32
      %cond3A_94 = arith.constant 0 : i32
      %cond3A_95 = arith.cmpi ne, %convert_element_type3A_93, %cond3A_94 : i32
      scf.if %cond3A_95 {
        %add3A_96 = arith.constant 3 : i32
        %add3A_97 = arith.addi %mul3A_47, %add3A_96 : i32
        %dma_start3A_98 = arith.constant 0 : i32
        %dma_start3A_99 = arith.constant 0 : i32
        %dma_start3A_100 = tpu.memref_slice %arg3[%add3A, %add3A_97, %dma_start3A_98, %dma_start3A_99] : memref<32x80x2x128xi32, #tpu.memory_space<hbm>> -> memref<1x1x2x128xi32, #tpu.memory_space<hbm>>
        %dma_start3A_101 = tpu.memref_squeeze %dma_start3A_100 : memref<1x1x2x128xi32, #tpu.memory_space<hbm>> -> memref<2x128xi32, #tpu.memory_space<hbm>>
        %dma_start3A_102 = arith.constant 0 : i32
        %dma_start3A_103 = arith.constant 0 : i32
        %dma_start3A_104 = tpu.memref_slice %arg3[%add3A, %add3A_97, %dma_start3A_102, %dma_start3A_103] : memref<32x80x2x128xi32, #tpu.memory_space<hbm>> -> memref<1x1x2x128xi32, #tpu.memory_space<hbm>>
        %dma_start3A_105 = tpu.memref_squeeze %dma_start3A_104 : memref<1x1x2x128xi32, #tpu.memory_space<hbm>> -> memref<2x128xi32, #tpu.memory_space<hbm>>
        tpu.enqueue_dma source(%dma_start3A_105 : memref<2x128xi32, #tpu.memory_space<hbm>>) target(%arg7 : memref<2x128xi32, #tpu.memory_space<vmem>>) target_semaphore(%arg11 : memref<!tpu.dma_semaphore, #tpu.memory_space<semaphore_mem>>)
      } else {
      }
    }
    %scan3A_39 = arith.constant 40 : i32
    %barrier3A_40 = arith.constant 0 : index
    tpu.barrier barrier_id(%barrier3A_40)
    %mul3A_41 = arith.constant 640 : i32
    %mul3A_42 = arith.muli %arg1, %mul3A_41 : i32
    %mul3A_43 = arith.constant 640 : i32
    %mul3A_44 = arith.muli %arg1, %mul3A_43 : i32
    "tpu.region"() ({
      %run_scoped3A = tpu.sem_alloc : memref<!tpu.dma_semaphore, #tpu.memory_space<semaphore_mem>>
      %dma_start3A_45 = arith.constant 0 : i32
      %dma_start3A_46 = tpu.memref_slice %arg5[%arg0, %mul3A_44, %dma_start3A_45] : memref<2x10240x128xf32, #tpu.memory_space<hbm>> -> memref<1x640x128xf32, #tpu.memory_space<hbm>>
      %dma_start3A_47 = tpu.memref_squeeze %dma_start3A_46 : memref<1x640x128xf32, #tpu.memory_space<hbm>> -> memref<640x128xf32, #tpu.memory_space<hbm>>
      %dma_start3A_48 = arith.constant 0 : i32
      %dma_start3A_49 = tpu.memref_slice %arg14[%mul3A_42, %dma_start3A_48] : memref<10240x128xf32, #tpu.memory_space<vmem_shared>> -> memref<640x128xf32, #tpu.memory_space<vmem_shared>>
      tpu.enqueue_dma source(%dma_start3A_49 : memref<640x128xf32, #tpu.memory_space<vmem_shared>>) target(%dma_start3A_47 : memref<640x128xf32, #tpu.memory_space<hbm>>) target_semaphore(%run_scoped3A : memref<!tpu.dma_semaphore, #tpu.memory_space<semaphore_mem>>)
      %dma_wait3A_50 = arith.constant 0 : i32
      %dma_wait3A_51 = tpu.memref_slice %arg5[%arg0, %mul3A_44, %dma_wait3A_50] : memref<2x10240x128xf32, #tpu.memory_space<hbm>> -> memref<1x640x128xf32, #tpu.memory_space<hbm>>
      %dma_wait3A_52 = tpu.memref_squeeze %dma_wait3A_51 : memref<1x640x128xf32, #tpu.memory_space<hbm>> -> memref<640x128xf32, #tpu.memory_space<hbm>>
      %dma_wait3A_53 = arith.constant 0 : i32
      %dma_wait3A_54 = tpu.memref_slice %arg14[%mul3A_42, %dma_wait3A_53] : memref<10240x128xf32, #tpu.memory_space<vmem_shared>> -> memref<640x128xf32, #tpu.memory_space<vmem_shared>>
      tpu.wait_dma2 semaphore(%run_scoped3A : memref<!tpu.dma_semaphore, #tpu.memory_space<semaphore_mem>>) src(%dma_wait3A_54 : memref<640x128xf32, #tpu.memory_space<vmem_shared>>) dst(%dma_wait3A_52 : memref<640x128xf32, #tpu.memory_space<hbm>>)
      tpu.yield
    }) : () -> ()
    return
  }
}

module attributes {stable_mosaic.version = 14 : i64} {
  func.func @_tc1_body(%arg0: i32, %arg1: memref<1024x128xf32, #tpu.memory_space<vmem>>, %arg2: memref<128x128xf32, #tpu.memory_space<vmem>>, %arg3: memref<2x1024x1xf32, #tpu.memory_space<vmem>>, %arg4: memref<1024x128xf32, #tpu.memory_space<vmem>>) attributes {dimension_semantics = [#tpu.dimension_semantics<arbitrary>], iteration_bounds = array<i64: 10>, scalar_prefetch = 0 : i64, scratch_operands = 0 : i64, tpu.core_type = #tpu.core_type<tc>, window_params = [{transform_indices = @transform_0, window_bounds = array<i64: 1024, 128>}, {pipeline_mode = #tpu.pipeline_mode<synchronous>, transform_indices = @transform_1, window_bounds = array<i64: 128, 128>}, {transform_indices = @transform_2, window_bounds = array<i64: 2, 1024, 1>}, {transform_indices = @transform_3, window_bounds = array<i64: 1024, 128>}]} {
    %get3A = arith.constant 0 : index
    %get3A_0 = arith.constant 0 : index
    %get3A_1 = arith.constant 0 : index
    %get3A_2 = vector.load %arg3[%get3A, %get3A_0, %get3A_1] : memref<2x1024x1xf32, #tpu.memory_space<vmem>>, vector<1x1024x1xf32>
    %get3A_3 = vector.shape_cast %get3A_2 : vector<1x1024x1xf32> to vector<1024x1xf32>
    %get3A_4 = arith.constant 1 : index
    %get3A_5 = arith.constant 0 : index
    %get3A_6 = arith.constant 0 : index
    %get3A_7 = vector.load %arg3[%get3A_4, %get3A_5, %get3A_6] : memref<2x1024x1xf32, #tpu.memory_space<vmem>>, vector<1x1024x1xf32>
    %get3A_8 = vector.shape_cast %get3A_7 : vector<1x1024x1xf32> to vector<1024x1xf32>
    %add3A = arith.addf %get3A_3, %get3A_8 : vector<1024x1xf32>
    %add3A_9 = arith.constant 1.000000e+00 : f32
    %add3A_10 = vector.broadcast %add3A_9 : f32 to vector<1024x1xf32>
    %add3A_11 = arith.addf %add3A, %add3A_10 : vector<1024x1xf32>
    %rsqrt3A = math.rsqrt %add3A_11 : vector<1024x1xf32>
    %get3A_12 = arith.constant 0 : index
    %get3A_13 = arith.constant 0 : index
    %get3A_14 = vector.load %arg1[%get3A_12, %get3A_13] : memref<1024x128xf32, #tpu.memory_space<vmem>>, vector<1024x128xf32>
    %get3A_15 = arith.constant 0 : index
    %get3A_16 = arith.constant 0 : index
    %get3A_17 = vector.load %arg2[%get3A_15, %get3A_16] : memref<128x128xf32, #tpu.memory_space<vmem>>, vector<128x128xf32>
    %dot_general3A = arith.constant dense<0.000000e+00> : vector<1024x128xf32>
    %dot_general3A_18 = tpu.matmul %get3A_14, %get3A_17, %dot_general3A {dimension_numbers = #tpu.dot_dimension_numbers<[1], [0], [0], [1], [0, 0, 1, 1], [], []>, transpose_lhs_hint = false} : vector<1024x128xf32>, vector<128x128xf32>, vector<1024x128xf32> -> vector<1024x128xf32>
    %mul3A = vector.broadcast %rsqrt3A : vector<1024x1xf32> to vector<1024x128xf32>
    %mul3A_19 = arith.mulf %dot_general3A_18, %mul3A : vector<1024x128xf32>
    %swap3A = arith.constant 0 : index
    %swap3A_20 = arith.constant 0 : index
    %swap3A_21 = vector.load %arg4[%swap3A, %swap3A_20] : memref<1024x128xf32, #tpu.memory_space<vmem>>, vector<1024x128xf32>
    tpu.vector_store %arg4[%swap3A, %swap3A_20], %mul3A_19 {strides = array<i32>} : memref<1024x128xf32, #tpu.memory_space<vmem>>, vector<1024x128xf32>,
    return
  }
  func.func @transform_0(%arg0: i32) -> (i32, i32) {
    %c0_i32 = arith.constant 0 : i32
    %c0_i32_0 = arith.constant 0 : i32
    return %arg0, %c0_i32 : i32, i32
  }
  func.func @transform_1(%arg0: i32) -> (i32, i32) {
    %c0_i32 = arith.constant 0 : i32
    %c0_i32_0 = arith.constant 0 : i32
    %c0_i32_1 = arith.constant 0 : i32
    return %c0_i32, %c0_i32_0 : i32, i32
  }
  func.func @transform_2(%arg0: i32) -> (i32, i32, i32) {
    %c0_i32 = arith.constant 0 : i32
    %c0_i32_0 = arith.constant 0 : i32
    %c0_i32_1 = arith.constant 0 : i32
    return %c0_i32, %arg0, %c0_i32_0 : i32, i32, i32
  }
  func.func @transform_3(%arg0: i32) -> (i32, i32) {
    %c0_i32 = arith.constant 0 : i32
    %c0_i32_0 = arith.constant 0 : i32
    return %arg0, %c0_i32 : i32, i32
  }
}

module attributes {stable_mosaic.version = 14 : i64} {
  func.func @_tc2_body(%arg0: i32, %arg1: memref<2x1024x128xf32, #tpu.memory_space<vmem>>, %arg2: memref<1024x128xf32, #tpu.memory_space<vmem>>, %arg3: memref<2x1024x1xf32, #tpu.memory_space<vmem>>, %arg4: memref<1x128xf32, #tpu.memory_space<vmem>>, %arg5: memref<128x128xf32, #tpu.memory_space<vmem>>, %arg6: memref<1024x128xf32, #tpu.memory_space<vmem>>) attributes {dimension_semantics = [#tpu.dimension_semantics<arbitrary>], iteration_bounds = array<i64: 10>, scalar_prefetch = 0 : i64, scratch_operands = 0 : i64, tpu.core_type = #tpu.core_type<tc>, window_params = [{transform_indices = @transform_0, window_bounds = array<i64: 2, 1024, 128>}, {transform_indices = @transform_1, window_bounds = array<i64: 1024, 128>}, {transform_indices = @transform_2, window_bounds = array<i64: 2, 1024, 1>}, {pipeline_mode = #tpu.pipeline_mode<synchronous>, transform_indices = @transform_3, window_bounds = array<i64: 1, 128>}, {pipeline_mode = #tpu.pipeline_mode<synchronous>, transform_indices = @transform_4, window_bounds = array<i64: 128, 128>}, {transform_indices = @transform_5, window_bounds = array<i64: 1024, 128>}]} {
    %get3A = arith.constant 0 : index
    %get3A_0 = arith.constant 0 : index
    %get3A_1 = arith.constant 0 : index
    %get3A_2 = vector.load %arg3[%get3A, %get3A_0, %get3A_1] : memref<2x1024x1xf32, #tpu.memory_space<vmem>>, vector<1x1024x1xf32>
    %get3A_3 = vector.shape_cast %get3A_2 : vector<1x1024x1xf32> to vector<1024x1xf32>
    %get3A_4 = arith.constant 1 : index
    %get3A_5 = arith.constant 0 : index
    %get3A_6 = arith.constant 0 : index
    %get3A_7 = vector.load %arg3[%get3A_4, %get3A_5, %get3A_6] : memref<2x1024x1xf32, #tpu.memory_space<vmem>>, vector<1x1024x1xf32>
    %get3A_8 = vector.shape_cast %get3A_7 : vector<1x1024x1xf32> to vector<1024x1xf32>
    %add3A = arith.addf %get3A_3, %get3A_8 : vector<1024x1xf32>
    %add3A_9 = arith.constant 1.000000e+00 : f32
    %add3A_10 = vector.broadcast %add3A_9 : f32 to vector<1024x1xf32>
    %add3A_11 = arith.addf %add3A, %add3A_10 : vector<1024x1xf32>
    %rsqrt3A = math.rsqrt %add3A_11 : vector<1024x1xf32>
    %get3A_12 = arith.constant 0 : index
    %get3A_13 = arith.constant 0 : index
    %get3A_14 = arith.constant 0 : index
    %get3A_15 = vector.load %arg1[%get3A_12, %get3A_13, %get3A_14] : memref<2x1024x128xf32, #tpu.memory_space<vmem>>, vector<1x1024x128xf32>
    %get3A_16 = vector.shape_cast %get3A_15 : vector<1x1024x128xf32> to vector<1024x128xf32>
    %get3A_17 = arith.constant 1 : index
    %get3A_18 = arith.constant 0 : index
    %get3A_19 = arith.constant 0 : index
    %get3A_20 = vector.load %arg1[%get3A_17, %get3A_18, %get3A_19] : memref<2x1024x128xf32, #tpu.memory_space<vmem>>, vector<1x1024x128xf32>
    %get3A_21 = vector.shape_cast %get3A_20 : vector<1x1024x128xf32> to vector<1024x128xf32>
    %add3A_22 = arith.addf %get3A_16, %get3A_21 : vector<1024x128xf32>
    %get3A_23 = arith.constant 0 : index
    %get3A_24 = arith.constant 0 : index
    %get3A_25 = vector.load %arg2[%get3A_23, %get3A_24] : memref<1024x128xf32, #tpu.memory_space<vmem>>, vector<1024x128xf32>
    %add3A_26 = arith.addf %add3A_22, %get3A_25 : vector<1024x128xf32>
    %mul3A = vector.broadcast %rsqrt3A : vector<1024x1xf32> to vector<1024x128xf32>
    %mul3A_27 = arith.mulf %add3A_26, %mul3A : vector<1024x128xf32>
    %get3A_28 = arith.constant 0 : index
    %get3A_29 = arith.constant 0 : index
    %get3A_30 = vector.load %arg4[%get3A_28, %get3A_29] : memref<1x128xf32, #tpu.memory_space<vmem>>, vector<1x128xf32>
    %add3A_31 = vector.broadcast %get3A_30 : vector<1x128xf32> to vector<1024x128xf32>
    %add3A_32 = arith.addf %mul3A_27, %add3A_31 : vector<1024x128xf32>
    %max3A = arith.constant 0.000000e+00 : f32
    %max3A_33 = vector.broadcast %max3A : f32 to vector<1024x128xf32>
    %max3A_34 = arith.maximumf %add3A_32, %max3A_33 : vector<1024x128xf32>
    %get3A_35 = arith.constant 0 : index
    %get3A_36 = arith.constant 0 : index
    %get3A_37 = vector.load %arg5[%get3A_35, %get3A_36] : memref<128x128xf32, #tpu.memory_space<vmem>>, vector<128x128xf32>
    %dot_general3A = arith.constant dense<0.000000e+00> : vector<1024x128xf32>
    %dot_general3A_38 = tpu.matmul %max3A_34, %get3A_37, %dot_general3A {dimension_numbers = #tpu.dot_dimension_numbers<[1], [0], [0], [1], [0, 0, 1, 1], [], []>, transpose_lhs_hint = false} : vector<1024x128xf32>, vector<128x128xf32>, vector<1024x128xf32> -> vector<1024x128xf32>
    %mul3A_39 = vector.broadcast %rsqrt3A : vector<1024x1xf32> to vector<1024x128xf32>
    %mul3A_40 = arith.mulf %dot_general3A_38, %mul3A_39 : vector<1024x128xf32>
    %swap3A = arith.constant 0 : index
    %swap3A_41 = arith.constant 0 : index
    %swap3A_42 = vector.load %arg6[%swap3A, %swap3A_41] : memref<1024x128xf32, #tpu.memory_space<vmem>>, vector<1024x128xf32>
    tpu.vector_store %arg6[%swap3A, %swap3A_41], %mul3A_40 {strides = array<i32>} : memref<1024x128xf32, #tpu.memory_space<vmem>>, vector<1024x128xf32>,
    return
  }
  func.func @transform_0(%arg0: i32) -> (i32, i32, i32) {
    %c0_i32 = arith.constant 0 : i32
    %c0_i32_0 = arith.constant 0 : i32
    %c0_i32_1 = arith.constant 0 : i32
    return %c0_i32, %arg0, %c0_i32_0 : i32, i32, i32
  }
  func.func @transform_1(%arg0: i32) -> (i32, i32) {
    %c0_i32 = arith.constant 0 : i32
    %c0_i32_0 = arith.constant 0 : i32
    return %arg0, %c0_i32 : i32, i32
  }
  func.func @transform_2(%arg0: i32) -> (i32, i32, i32) {
    %c0_i32 = arith.constant 0 : i32
    %c0_i32_0 = arith.constant 0 : i32
    %c0_i32_1 = arith.constant 0 : i32
    return %c0_i32, %arg0, %c0_i32_0 : i32, i32, i32
  }
  func.func @transform_3(%arg0: i32) -> (i32, i32) {
    %c0_i32 = arith.constant 0 : i32
    %c0_i32_0 = arith.constant 0 : i32
    %c0_i32_1 = arith.constant 0 : i32
    return %c0_i32, %c0_i32_0 : i32, i32
  }
  func.func @transform_4(%arg0: i32) -> (i32, i32) {
    %c0_i32 = arith.constant 0 : i32
    %c0_i32_0 = arith.constant 0 : i32
    %c0_i32_1 = arith.constant 0 : i32
    return %c0_i32, %c0_i32_0 : i32, i32
  }
  func.func @transform_5(%arg0: i32) -> (i32, i32) {
    %c0_i32 = arith.constant 0 : i32
    %c0_i32_0 = arith.constant 0 : i32
    return %arg0, %c0_i32 : i32, i32
  }
}

module attributes {stable_mosaic.version = 14 : i64} {
  func.func @_tc3_body(%arg0: i32, %arg1: memref<2x1024x128xf32, #tpu.memory_space<vmem>>, %arg2: memref<1024x128xf32, #tpu.memory_space<vmem>>, %arg3: memref<2x1024x1xf32, #tpu.memory_space<vmem>>, %arg4: memref<1x64xf32, #tpu.memory_space<vmem>>, %arg5: memref<1024x64xf32, #tpu.memory_space<vmem>>) attributes {dimension_semantics = [#tpu.dimension_semantics<arbitrary>], iteration_bounds = array<i64: 10>, scalar_prefetch = 0 : i64, scratch_operands = 0 : i64, tpu.core_type = #tpu.core_type<tc>, window_params = [{transform_indices = @transform_0, window_bounds = array<i64: 2, 1024, 128>}, {transform_indices = @transform_1, window_bounds = array<i64: 1024, 128>}, {transform_indices = @transform_2, window_bounds = array<i64: 2, 1024, 1>}, {pipeline_mode = #tpu.pipeline_mode<synchronous>, transform_indices = @transform_3, window_bounds = array<i64: 1, 64>}, {transform_indices = @transform_4, window_bounds = array<i64: 1024, 64>}]} {
    %get3A = arith.constant 0 : index
    %get3A_0 = arith.constant 0 : index
    %get3A_1 = arith.constant 0 : index
    %get3A_2 = vector.load %arg3[%get3A, %get3A_0, %get3A_1] : memref<2x1024x1xf32, #tpu.memory_space<vmem>>, vector<1x1024x1xf32>
    %get3A_3 = vector.shape_cast %get3A_2 : vector<1x1024x1xf32> to vector<1024x1xf32>
    %get3A_4 = arith.constant 1 : index
    %get3A_5 = arith.constant 0 : index
    %get3A_6 = arith.constant 0 : index
    %get3A_7 = vector.load %arg3[%get3A_4, %get3A_5, %get3A_6] : memref<2x1024x1xf32, #tpu.memory_space<vmem>>, vector<1x1024x1xf32>
    %get3A_8 = vector.shape_cast %get3A_7 : vector<1x1024x1xf32> to vector<1024x1xf32>
    %add3A = arith.addf %get3A_3, %get3A_8 : vector<1024x1xf32>
    %add3A_9 = arith.constant 1.000000e+00 : f32
    %add3A_10 = vector.broadcast %add3A_9 : f32 to vector<1024x1xf32>
    %add3A_11 = arith.addf %add3A, %add3A_10 : vector<1024x1xf32>
    %rsqrt3A = math.rsqrt %add3A_11 : vector<1024x1xf32>
    %get3A_12 = arith.constant 0 : index
    %get3A_13 = arith.constant 0 : index
    %get3A_14 = arith.constant 0 : index
    %get3A_15 = vector.load %arg1[%get3A_12, %get3A_13, %get3A_14] : memref<2x1024x128xf32, #tpu.memory_space<vmem>>, vector<1x1024x128xf32>
    %get3A_16 = vector.shape_cast %get3A_15 : vector<1x1024x128xf32> to vector<1024x128xf32>
    %get3A_17 = arith.constant 1 : index
    %get3A_18 = arith.constant 0 : index
    %get3A_19 = arith.constant 0 : index
    %get3A_20 = vector.load %arg1[%get3A_17, %get3A_18, %get3A_19] : memref<2x1024x128xf32, #tpu.memory_space<vmem>>, vector<1x1024x128xf32>
    %get3A_21 = vector.shape_cast %get3A_20 : vector<1x1024x128xf32> to vector<1024x128xf32>
    %add3A_22 = arith.addf %get3A_16, %get3A_21 : vector<1024x128xf32>
    %get3A_23 = arith.constant 0 : index
    %get3A_24 = arith.constant 0 : index
    %get3A_25 = vector.load %arg2[%get3A_23, %get3A_24] : memref<1024x128xf32, #tpu.memory_space<vmem>>, vector<1024x128xf32>
    %add3A_26 = arith.addf %add3A_22, %get3A_25 : vector<1024x128xf32>
    %mul3A = vector.broadcast %rsqrt3A : vector<1024x1xf32> to vector<1024x128xf32>
    %mul3A_27 = arith.mulf %add3A_26, %mul3A : vector<1024x128xf32>
    %slice3A = vector.extract_strided_slice %mul3A_27 {offsets = [0, 0], sizes = [1024, 64], strides = [1, 1]} : vector<1024x128xf32> to vector<1024x64xf32>
    %get3A_28 = arith.constant 0 : index
    %get3A_29 = arith.constant 0 : index
    %get3A_30 = vector.load %arg4[%get3A_28, %get3A_29] : memref<1x64xf32, #tpu.memory_space<vmem>>, vector<1x64xf32>
    %add3A_31 = vector.broadcast %get3A_30 : vector<1x64xf32> to vector<1024x64xf32>
    %add3A_32 = arith.addf %slice3A, %add3A_31 : vector<1024x64xf32>
    %reduce_max3A = arith.constant dense<0xFF800000> : vector<1024xf32>
    %reduce_max3A_33 = vector.multi_reduction <maximumf>, %add3A_32, %reduce_max3A [1] : vector<1024x64xf32> to vector<1024xf32>
    %broadcast_in_dim3A = vector.shape_cast %reduce_max3A_33 : vector<1024xf32> to vector<1024x1xf32>
    %sub3A = vector.broadcast %broadcast_in_dim3A : vector<1024x1xf32> to vector<1024x64xf32>
    %sub3A_34 = arith.subf %add3A_32, %sub3A : vector<1024x64xf32>
    %exp3A = math.exp %sub3A_34 : vector<1024x64xf32>
    %reduce_sum3A = arith.constant dense<0.000000e+00> : vector<1024xf32>
    %reduce_sum3A_35 = vector.multi_reduction <add>, %exp3A, %reduce_sum3A [1] : vector<1024x64xf32> to vector<1024xf32>
    %broadcast_in_dim3A_36 = vector.shape_cast %reduce_sum3A_35 : vector<1024xf32> to vector<1024x1xf32>
    %log3A = math.log %broadcast_in_dim3A_36 : vector<1024x1xf32>
    %add3A_37 = arith.addf %broadcast_in_dim3A, %log3A : vector<1024x1xf32>
    %sub3A_38 = vector.broadcast %add3A_37 : vector<1024x1xf32> to vector<1024x64xf32>
    %sub3A_39 = arith.subf %add3A_32, %sub3A_38 : vector<1024x64xf32>
    %swap3A = arith.constant 0 : index
    %swap3A_40 = arith.constant 0 : index
    %swap3A_41 = vector.load %arg5[%swap3A, %swap3A_40] : memref<1024x64xf32, #tpu.memory_space<vmem>>, vector<1024x64xf32>
    tpu.vector_store %arg5[%swap3A, %swap3A_40], %sub3A_39 {strides = array<i32>} : memref<1024x64xf32, #tpu.memory_space<vmem>>, vector<1024x64xf32>,
    return
  }
  func.func @transform_0(%arg0: i32) -> (i32, i32, i32) {
    %c0_i32 = arith.constant 0 : i32
    %c0_i32_0 = arith.constant 0 : i32
    %c0_i32_1 = arith.constant 0 : i32
    return %c0_i32, %arg0, %c0_i32_0 : i32, i32, i32
  }
  func.func @transform_1(%arg0: i32) -> (i32, i32) {
    %c0_i32 = arith.constant 0 : i32
    %c0_i32_0 = arith.constant 0 : i32
    return %arg0, %c0_i32 : i32, i32
  }
  func.func @transform_2(%arg0: i32) -> (i32, i32, i32) {
    %c0_i32 = arith.constant 0 : i32
    %c0_i32_0 = arith.constant 0 : i32
    %c0_i32_1 = arith.constant 0 : i32
    return %c0_i32, %arg0, %c0_i32_0 : i32, i32, i32
  }
  func.func @transform_3(%arg0: i32) -> (i32, i32) {
    %c0_i32 = arith.constant 0 : i32
    %c0_i32_0 = arith.constant 0 : i32
    %c0_i32_1 = arith.constant 0 : i32
    return %c0_i32, %c0_i32_0 : i32, i32
  }
  func.func @transform_4(%arg0: i32) -> (i32, i32) {
    %c0_i32 = arith.constant 0 : i32
    %c0_i32_0 = arith.constant 0 : i32
    return %arg0, %c0_i32 : i32, i32
  }
}

</mosaic_0001>

<sc_bundles>
// kernel: kernel.11.cloned.1.call-start
scs
__scs_entry_jumppad:
0x0: {  	(pc) =	sbr.rel $0x88, $3  }
0x1: {  	(tag) =	ssettag $0x0;
	lr =	simm.s32 $0x1  }
0x2: {  	[smem:$0x3F9B] =	sst lr;
	_ =	strace $0xD0000000  }
0x3: {  	_ = 	snop  }
0x4: {  	_ = 	snop  }
0x5: {  	_ = 	snop  }
0x6: {  	_ = 	snop  }
0x7: {  	_ = 	snop  }
__scs_overlays_trampoline_lowered:
0x8: {  	[smem:$0x3FAA] =	sst s0  }
0x9: {  	[smem:$0x3FAB] =	sst s1  }
0xa: {  	[smem:$0x3FAC] =	sst s2  }
0xb: {  	[smem:$0x3FAD] =	sst s3  }
0xc: {  	[smem:$0x3FAE] =	sst s4  }
0xd: {  	[smem:$0x3FAF] =	sst s5  }
0xe: {  	[smem:$0x3FB0] =	sst s6  }
0xf: {  	[smem:$0x3FB1] =	sst s7  }
0x10: {  	[smem:$0x3FB2] =	sst s8  }
0x11: {  	[smem:$0x3FB3] =	sst s9;
	s0 =	simm.s32 @!p0 $0x0  }
0x12: {  	s1 =	sld [smem:$0x3F99];
	s0 =	simm.s32 @p0 $0x1  }
0x13: {  	[smem:$0x3FB4] =	sst s0;
	s0 =	simm.s32 @!p1 $0x0  }
0x14: {  	s2 =	sld [smem:$0x3F98];
	s0 =	simm.s32 @p1 $0x1  }
0x15: {  	[smem:$0x3FB5] =	sst s0;
	s0 =	simm.s32 @!p2 $0x0  }
0x16: {  	s3 =	sld [smem:$0x3FDB];
	s0 =	simm.s32 @p2 $0x1  }
0x17: {  	s4 =	simm.s32 $0x1BF5;
	[smem:$0x3FB7] =	sst s0  }
0x18: {  	s0 =	sld [smem:$0x3F9A];
	_ =	swait.ge [sflag:s4], $0x0  }
0x19: {  	s7 =	sld [smem:$0x3F9B]  }
0x1a: {  	s8 =	sadd.s32 $0xFFFFE003, lr  }
0x1b: {  	s9 =	sadd.s32 $0xFFFFFEF7, lr;
	s5 =	simm.s32 $0xFFFFFFFF;
	p2 =	slt.u32 s8, $0xFFFFF086  }
0x1c: {  	p1 =	slt.u32 s9, $0xF7A;
	s5 =	simm.s32 @!p2 $0x0  }
0x1d: {  	s5 =	simm.s32 @p1 $0x1;
	p0 =	seq.s32 s7, s2  }
0x1e: {  	s7 =	smul.u32 @!p0 $0xF7A, s2;
	p2 =	seq.s32 @!p0 s5, $0x0  }
0x1f: {  	s9 =	smul.u32 $0xF7A, s1;
	s8 =	simm.s32 @!p0 $0x1BF5;
	p2 =	por !p2, p0  }
0x20: {  	[sflag:s8] =	ssyncset.s32 @!p0 $0xFFFFF086;
	s6 =	sadd.s32 @!p0 s3, s7;
	s7 =	simm.s32 @!p0 $0x108  }
0x21: {  	s3 =	sadd.s32 s3, s9;
	s6 =	sadd.s32 @!p0 $0x88, s6;
	s7 =	simm.s32 @p2 $0x1082  }
0x22: {  	[simem:s7], [sflag:s8] =	dma.local @!p0 [hbm:s6], $0xF7A  }
0x23: {  	s9 =	sor.u32 $0xD0000000, s2;
	s6 =	simm.s32 $0x108;
	_ =	swait.ge @!p0 [sflag:s8], $0x0  }
0x24: {  	s3 =	sadd.s32 $0x88, s3;
	s6 =	simm.s32 @!p1 $0x1082;
	[sflag:s4] =	ssyncset.s32 $0xFFFFF086  }
0x25: {  	[simem:s6], [sflag:s4] =	dma.local [hbm:s3], $0xF7A  }
0x26: {  	[smem:$0x3F9B] =	sst s1;
	(tag) =	ssettag s2;
	_ =	strace s9  }
0x27: {  	s1 =	sld [smem:$0x3FAB]  }
0x28: {  	s2 =	sld [smem:$0x3FAC]  }
0x29: {  	s4 =	sld [smem:$0x3FAE]  }
0x2a: {  	p0 =	seq.s32 s5, $0x0;
	s5 =	sld [smem:$0x3FAF]  }
0x2b: {  	s6 =	sld [smem:$0x3FB0]  }
0x2c: {  	s7 =	sld [smem:$0x3FB1]  }
0x2d: {  	s3 =	simm.s32 $0x108;
	s8 =	sld [smem:$0x3FB2]  }
0x2e: {  	s3 =	simm.s32 @!p0 $0x1082;
	s9 =	sld [smem:$0x3FB3]  }
0x2f: {  	lr =	sadd.s32 s0, s3;
	s0 =	sld [smem:$0x3FAA]  }
0x30: {  	s3 =	sld [smem:$0x3FAD]  }
0x31: {  	[smem:$0x3FB6] =	sst s10  }
0x32: {  	s10 =	sld [smem:$0x3FB4];
	_ =	sdelay $0x3  }
0x33: {  	p0 =	seq.s32 s10, $0x1;
	s10 =	sld [smem:$0x3FB6];
	_ =	sdelay $0x3  }
0x34: {  	[smem:$0x3FB6] =	sst s10  }
0x35: {  	s10 =	sld [smem:$0x3FB5];
	_ =	sdelay $0x3  }
0x36: {  	p1 =	seq.s32 s10, $0x1;
	s10 =	sld [smem:$0x3FB6];
	_ =	sdelay $0x3  }
0x37: {  	[smem:$0x3FB6] =	sst s10  }
0x38: {  	s10 =	sld [smem:$0x3FB7]  }
0x39: {  	_ = 	snop;
	(pc) =	sbr.ind lr, $3  }
0x3a: {  	_ = 	snop  }
0x3b: {  	_ = 	snop  }
0x3c: {  	p2 =	seq.s32 s10, $0x1;
	s10 =	sld [smem:$0x3FB6]  }
0x3d: {  	_ =	shalt  }
0x3e: {  	_ =	shalt  }
0x3f: {  	_ =	shalt  }
0x40: {  	_ =	shalt  }
0x41: {  	_ =	shalt  }
0x42: {  	_ =	shalt  }
0x43: {  	_ =	shalt  }
0x44: {  	_ =	shalt  }
0x45: {  	_ =	shalt  }
0x46: {  	_ =	shalt  }
0x47: {  	_ =	shalt  }
0x48: {  	_ =	shalt  }
0x49: {  	_ =	shalt  }
0x4a: {  	_ =	shalt  }
0x4b: {  	_ =	shalt  }
0x4c: {  	_ =	shalt  }
0x4d: {  	_ =	shalt  }
0x4e: {  	_ =	shalt  }
0x4f: {  	_ =	shalt  }
0x50: {  	_ =	shalt  }
0x51: {  	_ =	shalt  }
0x52: {  	_ =	shalt  }
0x53: {  	_ =	shalt  }
0x54: {  	_ =	shalt  }
0x55: {  	_ =	shalt  }
0x56: {  	_ =	shalt  }
0x57: {  	_ =	shalt  }
0x58: {  	_ =	shalt  }
0x59: {  	_ =	shalt  }
0x5a: {  	_ =	shalt  }
0x5b: {  	_ =	shalt  }
0x5c: {  	_ =	shalt  }
0x5d: {  	_ =	shalt  }
0x5e: {  	_ =	shalt  }
0x5f: {  	_ =	shalt  }
0x60: {  	_ =	shalt  }
0x61: {  	_ =	shalt  }
0x62: {  	_ =	shalt  }
0x63: {  	_ =	shalt  }
0x64: {  	_ =	shalt  }
0x65: {  	_ =	shalt  }
0x66: {  	_ =	shalt  }
0x67: {  	_ =	shalt  }
0x68: {  	_ =	shalt  }
0x69: {  	_ =	shalt  }
0x6a: {  	_ =	shalt  }
0x6b: {  	_ =	shalt  }
0x6c: {  	_ =	shalt  }
0x6d: {  	_ =	shalt  }
0x6e: {  	_ =	shalt  }
0x6f: {  	_ =	shalt  }
0x70: {  	_ =	shalt  }
0x71: {  	_ =	shalt  }
0x72: {  	_ =	shalt  }
0x73: {  	_ =	shalt  }
0x74: {  	_ =	shalt  }
0x75: {  	_ =	shalt  }
0x76: {  	_ =	shalt  }
0x77: {  	_ =	shalt  }
0x78: {  	_ =	shalt  }
0x79: {  	_ =	shalt  }
0x7a: {  	_ =	shalt  }
0x7b: {  	_ =	shalt  }
0x7c: {  	_ =	shalt  }
0x7d: {  	_ =	shalt  }
0x7e: {  	_ =	shalt  }
0x7f: {  	_ =	shalt  }
0x80: {  	_ =	shalt  }
0x81: {  	_ =	shalt  }
0x82: {  	_ =	shalt  }
0x83: {  	_ =	shalt  }
0x84: {  	_ =	shalt  }
0x85: {  	_ =	shalt  }
0x86: {  	_ =	shalt  }
0x87: {  	_ =	shalt  }
.Lfunc_end0:
.L_simem_size_0:
called_computation.1_lowered:
.L_overlay_start_0:
0x88: {  	s2 =	sld [smem:$0x3FD9]  }
0x89: {  	s3 =	sld [smem:$0x3FFE];
	_ =	sdelay $0x1  }
0x8a: {  	s1 =	srdreg.scid  }
0x8b: {  	s0 =	sand.u32 $0x1, s1  }
0x8c: {  	s17 =	sshll.u32 s0, $0xA;
	s2 =	sadd.s32 s3, s2  }
0x8d: {  	s2 =	sadd.s32 s2, s17  }
0x8e: {  	[smem:$0x3FC2] =	sst s2  }
0x8f: {  	_ = 	snop  }
0x90: {  	s2 =	sld [smem:$0x3FD0];
	(tm) =	ssettm $0x1  }
0x91: {  	s18 =	sld [smem:$0x3FFB];
	_ =	sdelay $0x3  }
0x92: {  	_ =	strace s18  }
0x93: {  	s3 =	sld [smem:$0x3FFC];
	_ =	sdelay $0x3  }
0x94: {  	_ =	strace s3  }
0x95: {  	s3 =	sld [smem:$0x3FFD];
	_ =	sdelay $0x3  }
0x96: {  	_ =	strace s3  }
0x97: {  	_ =	strace $0x8FFFFFFF  }
0x98: {  	s19 =	sld [smem:$0x3FDB];
	_ =	sdelay $0x1  }
0x99: {  	s4 =	simm.s32 $_scs_section_size  }
0x9a: {  	s5 =	simm.s32 $_size__tile_overlayer_lowered;
	s6 =	simm.s32 $_tile_overlayer_lowered  }
0x9b: {  	s22 =	simm.s32 $0x1BFF;
	s21 =	sshll.u32 s6, $0x1;
	s3 =	sadd.s32 s4, s19  }
0x9c: {  	s7 =	simm.s32 $0x0;
	s20 =	sshll.u32 s5, $0x1;
	s5 =	sadd.s32 s21, s3  }
0x9d: {  	[timem:s7], [sflag:s22] =	dma.local [hbm:s5], s20  }
0x9e: {  	_ =	swait.ge [sflag:s22], s20  }
0x9f: {  	s4 =	ssub.s32 $0x0, s20;
	[sflag:s22] =	ssyncset.done $0x0  }
0xa0: {  	[sflag:s22] =	ssyncadd.s32 s4;
	_ =	sdelay $0x1  }
0xa1: {  	s23 =	simm.s32 $0x1B8B  }
0xa2: {  	_ =	swait.ge [sflag:s23], $0x1  }
0xa3: {  	[sflag:s23] =	ssyncset.done $0x0  }
0xa4: {  	s25 =	simm.s32 $0x1B8E;
	s24 =	sld [smem:$0x3FFE];
	[sflag:s23] =	ssyncadd.s32 $0xFFFFFFFF  }
0xa5: {  	s26 =	simm.s32 $execute0_lowered;
	[smem:$0x3FD2] =	sst s25  }
0xa6: {  	s5 =	sshll.u32 s26, $0x1;
	_ =	strace $0x80000049;
	[dreg:$0x1] =	wrdreg $0xFFFFFFFF  }
0xa7: {  	s28 =	simm.s32 $_size_execute0_lowered;
	s3 =	sadd.s32 s3, s5;
	[dreg:$0x0] =	wrdreg $0x0  }
0xa8: {  	s5 =	sshll.u32 s28, $0x1;
	[dreg:$0x2] =	wrdreg s3  }
0xa9: {  	[dreg:$0x3] =	wrdreg s5  }
0xaa: {  	[dreg:$0x4] =	wrdreg $0xC0  }
0xab: {  	_ =	task [dreg:s7], $0x5FFFF  }
0xac: {  	[dreg:$0x1] =	wrdreg $0xFFFFFFFF  }
0xad: {  	[dreg:$0x0] =	wrdreg $0x60  }
0xae: {  	[dreg:$0x2] =	wrdreg s24  }
0xaf: {  	[dreg:$0x3] =	wrdreg s2  }
0xb0: {  	[dreg:$0x4] =	wrdreg $0x82000  }
0xb1: {  	[dreg:$0x5] =	wrdreg $0x9  }
0xb2: {  	_ =	task.clear_ibuf [dreg:s7], $0x6FFFF;
	_ =	strace $0x90000049  }
0xb3: {  	s29 =	simm.s32 $0x9;
	_ =	strace $0x8000004B  }
0xb4: {  	_ =	swait.ge [sflag:s29], $0x1  }
0xb5: {  	[sflag:s29] =	ssyncadd.s32 $0xFFFFFFFF  }
0xb6: {  	_ =	strace $0x9000004B  }
0xb7: {  	_ =	sfence  }
0xb8: {  	s30 =	sld [smem:$0x0];
	_ =	sdelay $0x2  }
0xb9: {  	s31 =	sshll.u32 s1, $0xD;
	s1 =	sshrl.u32 s1, $0x2  }
0xba: {  	s3 =	sand.u32 $0x4000, s31;
	s1 =	sadd.s32 s1, s30  }
0xbb: {  	s0 =	sor.u32 s3, s0;
	s1 =	sshll.u32 s1, $0x11  }
0xbc: {  	s0 =	sor.u32 s1, s0  }
0xbd: {  	s0 =	sadd.s32 $0x8F2B, s0  }
0xbe: {  	[sflag:s0] =	ssyncadd.remote.s32 $0x1  }
0xbf: {  	_ =	sfence.sel $0xFFFF  }
0xc0: {  	[dreg:$0x0] =	wrdreg $0xFFFFFFFF;
	(pc) =	sbr.abs _section_cstart, $3  }
0xc1: {  	[dreg:$0x1] =	wrdreg $0xFFFFFFFF  }
0xc2: {  	_ =	task.clear_ibuf [dreg:s7], $0x2FFFF;
	_ =	strace $0x9FFFFFFF  }
0xc3: {  	(tm) =	ssettm $0x7FFFFFFF  }
tec
execute0_lowered:
.L_overlay_start_1:
0x0: {  	(tag) =	ssettag $0x1  }
0x1: {  	s6 =	rddreg [dreg:$0x0]  }
0x2: {  	s1 =	rddreg [dreg:$0x1]  }
0x3: {  	s2 =	rddreg [dreg:$0x2]  }
0x4: {  	s0 =	rddreg [dreg:$0x3];
	s4 =	simm.s32 $0x0;
	s3 =	srdreg.scid  }
0x5: {  	s16 =	simm.s32 $0x1;
	s17 =	simm.s32 $0x80;
	s7 =	sand.u32 $0x1, s3  }
0x6: {  	s18 =	simm.s32 $0x200;
	s3 =	stileid.u32;
	s8 =	smul.u32 $0x140000, s7  }
0x7: {  	s19 =	simm.s32 $0x2;
	s20 =	simm.s32 $0x3;
	s9 =	smul.u32 $0x14000, s3  }
0x8: {  	[smem:$0x7FF] =	sst s4;
	s5 =	sadd.s32 $0x67200, s6;
	s22 =	smul.u32 $0x50000, s3  }
0x9: {  	s12 =	sadd.s32 $0x3200, s6;
	_ =	strace $0x8000004A;
	s24 =	smul.u32 $0xA000, s3  }
0xa: {  	s10 =	sshll.u32 s3, $0x1;
	s11 =	ssub.s32 $0x2, s7;
	s26 =	smul.u32 $0x5000, s7  }
0xb: {  	s28 =	sshll.u32 s3, $0x6;
	s21 =	sor.u32 s7, s10;
	s23 =	sshrl.u32 s11, $0x1  }
0xc: {  	s8 =	sadd.s32 s9, s8;
	s9 =	smul.u32 $0x5000, s21;
	s11 =	ssub.s32 s11, s23  }
0xd: {  	s25 =	sshrl.u32 s22, $0x2;
	s30 =	sadd.s32 s26, s24;
	s21 =	simm.s32 $0x4200  }
0xe: {  	s22 =	simm.s32 $0x4;
	s23 =	simm.s32 $0x180;
	s24 =	simm.s32 $0x0  }
0xf: {  	s8 =	sshrl.u32 s8, $0x3;
	s14 =	sadd.s32 s25, s2;
	s10 =	sor.u32 $0x300, s30  }
0x10: {  	s15 =	sor.u32 $0x200, s30;
	s13 =	sadd.s32 s8, s6;
	s29 =	sshrl.u32 s9, $0x3  }
0x11: {  	s6 =	sor.u32 $0x1C05, s28;
	s31 =	sshrl.u32 s10, $0x3;
	s15 =	sshrl.u32 s15, $0x3  }
0x12: {  	s10 =	smax.u32 s11, $0x1;
	s7 =	sadd.s32 s12, s29;
	s9 =	sadd.s32 $0x8F200, s13  }
0x13: {  	s11 =	sadd.s32 s31, s12;
	s12 =	sadd.s32 s15, s12;
	s13 =	sshrl.u32 s14, $0x3  }
0x14: {  	s14 =	simm.s32 $0x5;
	s15 =	simm.s32 $0x100;
	s8 =	sadd.s32 $0x20, s7  }
.LBB2_1:
0x15: {  	[spmem:s13], [sflag:s6] =	dma.local [hbm:s1], $0x2800  }
0x16: {  	_ =	swait.ge [sflag:s14], $0x2800  }
0x17: {  	[sflag:s14] =	ssyncset.done $0x0  }
0x18: {  	[sflag:s14] =	ssyncadd.s32 $0xFFFFD800  }
0x19: {  	[bflag:$0x0] =	sbarrier.arrive $0xFFFF  }
0x1a: {  	[tilespmem:s4], [sflag:$0x1] =	stream.linear.gather [hbm4b:s7+s4], $0x100, $0x38;
	[tilespmem:$0x1C200] =	vst v63  }
0x1b: {  	_ = 	snop  }
0x1c: {  	[tilespmem:s15], [sflag:$0x2] =	stream.linear.gather [hbm4b:s8+s4], $0x100, $0x38;
	[tilespmem:$0x1C200] =	vst v63  }
0x1d: {  	_ =	swait.ge [sflag:s16], $0x100  }
0x1e: {  	[sflag:s16] =	ssyncset.done $0x0  }
0x1f: {  	[sflag:s16] =	ssyncadd.s32 $0xFFFFFF00  }
0x20: {  	[tilespmem:s18], [sflag:$0x3] =	stream.indirect.gather [hbm4b:s5+s17], $0x80, s4, s17, $0xb8;
	[tilespmem:$0x1C200] =	vst v63  }
0x21: {  	_ =	swait.ge [sflag:s19], $0x100  }
0x22: {  	[sflag:s19] =	ssyncset.done $0x0  }
0x23: {  	[sflag:s19] =	ssyncadd.s32 $0xFFFFFF00  }
0x24: {  	_ =	swait.ge [sflag:s20], $0x4000  }
0x25: {  	[sflag:s20] =	ssyncset.done $0x0  }
0x26: {  	[sflag:s20] =	ssyncadd.s32 $0xFFFFC000  }
0x27: {  	[tilespmem:s21], [sflag:$0x4] =	stream.indirect.gather [hbm4b:s5+s17], $0x80, s15, s17, $0xb8;
	[tilespmem:$0x1C200] =	vst v63  }
0x28: {  	_ = 	snop  }
0x29: {  	[spmem:s2] =	stream.indirect.scatter.add.f32 [tilespmem:s18], [sflag:$0x5], $0x80, s17, s17, $0xb8;
	[tilespmem:$0x1C200] =	vst v63  }
0x2a: {  	_ =	swait.ge [sflag:s14], $0x4000  }
0x2b: {  	[sflag:s14] =	ssyncset.done $0x0  }
0x2c: {  	s25 =	sadd.s32 $0x0, s12;
	[sflag:s14] =	ssyncadd.s32 $0xFFFFC000  }
0x2d: {  	[tilespmem:s4], [sflag:$0x1] =	stream.linear.gather [hbm4b:s25+s4], $0x100, $0x38;
	[tilespmem:$0x1C200] =	vst v63  }
0x2e: {  	_ =	swait.ge [sflag:s22], $0x4000  }
0x2f: {  	[sflag:s22] =	ssyncset.done $0x0  }
0x30: {  	[sflag:s22] =	ssyncadd.s32 $0xFFFFC000  }
0x31: {  	_ =	swait.ge [sflag:s16], $0x100  }
0x32: {  	[sflag:s16] =	ssyncset.done $0x0  }
0x33: {  	[sflag:s16] =	ssyncadd.s32 $0xFFFFFF00  }
0x34: {  	[tilespmem:s18], [sflag:$0x3] =	stream.indirect.gather [hbm4b:s5+s17], $0x80, s4, s17, $0xb8;
	[tilespmem:$0x1C200] =	vst v63  }
0x35: {  	_ = 	snop  }
0x36: {  	[spmem:s2] =	stream.indirect.scatter.add.f32 [tilespmem:s21], [sflag:$0x5], $0x80, s23, s17, $0xb8;
	[tilespmem:$0x1C200] =	vst v63  }
0x37: {  	_ =	swait.ge [sflag:s14], $0x4000  }
0x38: {  	[sflag:s14] =	ssyncset.done $0x0  }
0x39: {  	s26 =	sadd.s32 $0x0, s11;
	s25 =	simm.s32 $0x40;
	[sflag:s14] =	ssyncadd.s32 $0xFFFFC000  }
.LBB2_2:
0x3a: {  	[tilespmem:s15], [sflag:$0x2] =	stream.linear.gather [hbm4b:s26+s4], $0x100, $0x38;
	[tilespmem:$0x1C200] =	vst v63  }
0x3b: {  	s26 =	smov.u32 s25  }
0x3c: {  	p0 =	sne.s32 s25, $0x980;
	s25 =	sadd.s32 $0x40, s25;
	_ =	swait.ge [sflag:s19], $0x100  }
0x3d: {  	[sflag:s19] =	ssyncset.done $0x0  }
0x3e: {  	[sflag:s19] =	ssyncadd.s32 $0xFFFFFF00  }
0x3f: {  	_ =	swait.ge [sflag:s20], $0x4000  }
0x40: {  	[sflag:s20] =	ssyncset.done $0x0  }
0x41: {  	[sflag:s20] =	ssyncadd.s32 $0xFFFFC000  }
0x42: {  	[tilespmem:s21], [sflag:$0x4] =	stream.indirect.gather [hbm4b:s5+s17], $0x80, s15, s17, $0xb8;
	[tilespmem:$0x1C200] =	vst v63  }
0x43: {  	_ = 	snop  }
0x44: {  	[spmem:s2] =	stream.indirect.scatter.add.f32 [tilespmem:s18], [sflag:$0x5], $0x80, s17, s17, $0xb8;
	[tilespmem:$0x1C200] =	vst v63  }
0x45: {  	_ =	swait.ge [sflag:s14], $0x4000  }
0x46: {  	[sflag:s14] =	ssyncset.done $0x0  }
0x47: {  	s28 =	sadd.s32 s26, s12;
	[sflag:s14] =	ssyncadd.s32 $0xFFFFC000  }
0x48: {  	[tilespmem:s4], [sflag:$0x1] =	stream.linear.gather [hbm4b:s28+s4], $0x100, $0x38;
	[tilespmem:$0x1C200] =	vst v63  }
0x49: {  	_ =	swait.ge [sflag:s22], $0x4000  }
0x4a: {  	[sflag:s22] =	ssyncset.done $0x0  }
0x4b: {  	[sflag:s22] =	ssyncadd.s32 $0xFFFFC000  }
0x4c: {  	_ =	swait.ge [sflag:s16], $0x100  }
0x4d: {  	[sflag:s16] =	ssyncset.done $0x0  }
0x4e: {  	[sflag:s16] =	ssyncadd.s32 $0xFFFFFF00  }
0x4f: {  	[tilespmem:s18], [sflag:$0x3] =	stream.indirect.gather [hbm4b:s5+s17], $0x80, s4, s17, $0xb8;
	[tilespmem:$0x1C200] =	vst v63  }
.Ltmp0:
0x50: {  	(pc) =	sbr.rel @p0 .LBB2_2-.Ltmp0, $4  }
0x51: {  	[spmem:s2] =	stream.indirect.scatter.add.f32 [tilespmem:s21], [sflag:$0x5], $0x80, s23, s17, $0xb8;
	[tilespmem:$0x1C200] =	vst v63  }
0x52: {  	_ =	swait.ge [sflag:s14], $0x4000  }
0x53: {  	[sflag:s14] =	ssyncset.done $0x0  }
0x54: {  	s26 =	sadd.s32 s26, s11;
	[sflag:s14] =	ssyncadd.s32 $0xFFFFC000  }
0x55: {  	[tilespmem:s15], [sflag:$0x2] =	stream.linear.gather [hbm4b:s26+s4], $0x100, $0x38;
	[tilespmem:$0x1C200] =	vst v63  }
0x56: {  	_ =	swait.ge [sflag:s19], $0x100  }
0x57: {  	[sflag:s19] =	ssyncset.done $0x0  }
0x58: {  	[sflag:s19] =	ssyncadd.s32 $0xFFFFFF00  }
0x59: {  	_ =	swait.ge [sflag:s20], $0x4000  }
0x5a: {  	[sflag:s20] =	ssyncset.done $0x0  }
0x5b: {  	[sflag:s20] =	ssyncadd.s32 $0xFFFFC000  }
0x5c: {  	[tilespmem:s21], [sflag:$0x4] =	stream.indirect.gather [hbm4b:s5+s17], $0x80, s15, s17, $0xb8;
	[tilespmem:$0x1C200] =	vst v63  }
0x5d: {  	_ = 	snop  }
0x5e: {  	[spmem:s2] =	stream.indirect.scatter.add.f32 [tilespmem:s18], [sflag:$0x5], $0x80, s17, s17, $0xb8;
	[tilespmem:$0x1C200] =	vst v63  }
0x5f: {  	_ =	swait.ge [sflag:s14], $0x4000  }
0x60: {  	[sflag:s14] =	ssyncset.done $0x0  }
0x61: {  	[sflag:s14] =	ssyncadd.s32 $0xFFFFC000  }
0x62: {  	_ =	swait.ge [sflag:s22], $0x4000  }
0x63: {  	[sflag:s22] =	ssyncset.done $0x0  }
0x64: {  	[sflag:s22] =	ssyncadd.s32 $0xFFFFC000  }
0x65: {  	[spmem:s2] =	stream.indirect.scatter.add.f32 [tilespmem:s21], [sflag:$0x5], $0x80, s23, s17, $0xb8;
	[tilespmem:$0x1C200] =	vst v63  }
0x66: {  	_ =	swait.ge [sflag:s14], $0x4000  }
0x67: {  	s24 =	sadd.s32 $0x1, s24;
	[sflag:s14] =	ssyncset.done $0x0  }
0x68: {  	p0 =	sne.s32 s24, s10;
	[sflag:s14] =	ssyncadd.s32 $0xFFFFC000  }
.Ltmp1:
0x69: {  	[bflag:$0x0] =	sbarrier.arrive $0xFFFF;
	(pc) =	sbr.rel @p0 .LBB2_1-.Ltmp1, $4  }
0x6a: {  	[hbm:s9], [sflag:s6] =	dma.local [spmem:s13], $0x2800  }
0x6b: {  	_ =	swait.ge [sflag:s14], $0x2800  }
0x6c: {  	[sflag:s14] =	ssyncset.done $0x0  }
0x6d: {  	[sflag:s14] =	ssyncadd.s32 $0xFFFFD800  }
0x6e: {  	_ =	sfence.sel $0x180000  }
0x6f: {  	[bflag:$0x0] =	sbarrier.arrive $0xFFFF  }
0x70: {  	p0 =	sne.s32 s3, $0x0;
	_ =	strace $0x9000004A  }
0x71: {  	s0 =	sadd.s32 @!p0 $0x100000, s0;
	[bflag:$0x2] =	sbarrier.arrive $0xFFFF  }
0x72: {  	[sflag:s0] =	ssyncadd.tile.s32 @!p0 $0x1;
	_ =	shalt  }
.Lfunc_end2:
_tile_overlayer_lowered:
.L_overlay_start_2:
0x73: {  	(tag) =	ssettag $0x2  }
0x74: {  	s0 =	rddreg [dreg:$0x0];
	s2 =	stileid.u32  }
0x75: {  	s1 =	rddreg [dreg:$0x1];
	p0 =	sne.s32 s2, $0x0  }
0x76: {  	s3 =	rddreg [dreg:$0x2];
	[bflag:$0x3] =	sbarrier.arrive $0xFFFF;
	s2 =	simm.s32 @!p0 $0x1C05  }
0x77: {  	[timem:s3], [sflag:s2] =	dma.local @!p0 [hbm:s0], s1  }
0x78: {  	s0 =	simm.s32 @!p0 $0x5  }
0x79: {  	_ =	swait.ge @!p0 [sflag:s0], s1  }
0x7a: {  	s1 =	ssub.s32 @!p0 $0x0, s1;
	[sflag:s0] =	ssyncset.done @!p0 $0x0  }
0x7b: {  	[sflag:s0] =	ssyncadd.s32 @!p0 s1  }
0x7c: {  	[bflag:$0x3] =	sbarrier.arrive $0xFFFF  }
0x7d: {  	_ =	shalt  }

// kernel: kernel.14.cloned.1.call-start
scs
__scs_entry_jumppad:
0x0: {  	(pc) =	sbr.rel $0x88, $3  }
0x1: {  	(tag) =	ssettag $0x0;
	lr =	simm.s32 $0x1  }
0x2: {  	[smem:$0x3F9B] =	sst lr;
	_ =	strace $0xD0000000  }
0x3: {  	_ = 	snop  }
0x4: {  	_ = 	snop  }
0x5: {  	_ = 	snop  }
0x6: {  	_ = 	snop  }
0x7: {  	_ = 	snop  }
__scs_overlays_trampoline_lowered:
0x8: {  	[smem:$0x3FAA] =	sst s0  }
0x9: {  	[smem:$0x3FAB] =	sst s1  }
0xa: {  	[smem:$0x3FAC] =	sst s2  }
0xb: {  	[smem:$0x3FAD] =	sst s3  }
0xc: {  	[smem:$0x3FAE] =	sst s4  }
0xd: {  	[smem:$0x3FAF] =	sst s5  }
0xe: {  	[smem:$0x3FB0] =	sst s6  }
0xf: {  	[smem:$0x3FB1] =	sst s7  }
0x10: {  	[smem:$0x3FB2] =	sst s8  }
0x11: {  	[smem:$0x3FB3] =	sst s9;
	s0 =	simm.s32 @!p0 $0x0  }
0x12: {  	s1 =	sld [smem:$0x3F99];
	s0 =	simm.s32 @p0 $0x1  }
0x13: {  	[smem:$0x3FB4] =	sst s0;
	s0 =	simm.s32 @!p1 $0x0  }
0x14: {  	s2 =	sld [smem:$0x3F98];
	s0 =	simm.s32 @p1 $0x1  }
0x15: {  	[smem:$0x3FB5] =	sst s0;
	s0 =	simm.s32 @!p2 $0x0  }
0x16: {  	s3 =	sld [smem:$0x3FDB];
	s0 =	simm.s32 @p2 $0x1  }
0x17: {  	s4 =	simm.s32 $0x1BF5;
	[smem:$0x3FB7] =	sst s0  }
0x18: {  	s0 =	sld [smem:$0x3F9A];
	_ =	swait.ge [sflag:s4], $0x0  }
0x19: {  	s7 =	sld [smem:$0x3F9B]  }
0x1a: {  	s8 =	sadd.s32 $0xFFFFE003, lr  }
0x1b: {  	s9 =	sadd.s32 $0xFFFFFEF7, lr;
	s5 =	simm.s32 $0xFFFFFFFF;
	p2 =	slt.u32 s8, $0xFFFFF086  }
0x1c: {  	p1 =	slt.u32 s9, $0xF7A;
	s5 =	simm.s32 @!p2 $0x0  }
0x1d: {  	s5 =	simm.s32 @p1 $0x1;
	p0 =	seq.s32 s7, s2  }
0x1e: {  	s7 =	smul.u32 @!p0 $0xF7A, s2;
	p2 =	seq.s32 @!p0 s5, $0x0  }
0x1f: {  	s9 =	smul.u32 $0xF7A, s1;
	s8 =	simm.s32 @!p0 $0x1BF5;
	p2 =	por !p2, p0  }
0x20: {  	[sflag:s8] =	ssyncset.s32 @!p0 $0xFFFFF086;
	s6 =	sadd.s32 @!p0 s3, s7;
	s7 =	simm.s32 @!p0 $0x108  }
0x21: {  	s3 =	sadd.s32 s3, s9;
	s6 =	sadd.s32 @!p0 $0x88, s6;
	s7 =	simm.s32 @p2 $0x1082  }
0x22: {  	[simem:s7], [sflag:s8] =	dma.local @!p0 [hbm:s6], $0xF7A  }
0x23: {  	s9 =	sor.u32 $0xD0000000, s2;
	s6 =	simm.s32 $0x108;
	_ =	swait.ge @!p0 [sflag:s8], $0x0  }
0x24: {  	s3 =	sadd.s32 $0x88, s3;
	s6 =	simm.s32 @!p1 $0x1082;
	[sflag:s4] =	ssyncset.s32 $0xFFFFF086  }
0x25: {  	[simem:s6], [sflag:s4] =	dma.local [hbm:s3], $0xF7A  }
0x26: {  	[smem:$0x3F9B] =	sst s1;
	(tag) =	ssettag s2;
	_ =	strace s9  }
0x27: {  	s1 =	sld [smem:$0x3FAB]  }
0x28: {  	s2 =	sld [smem:$0x3FAC]  }
0x29: {  	s4 =	sld [smem:$0x3FAE]  }
0x2a: {  	p0 =	seq.s32 s5, $0x0;
	s5 =	sld [smem:$0x3FAF]  }
0x2b: {  	s6 =	sld [smem:$0x3FB0]  }
0x2c: {  	s7 =	sld [smem:$0x3FB1]  }
0x2d: {  	s3 =	simm.s32 $0x108;
	s8 =	sld [smem:$0x3FB2]  }
0x2e: {  	s3 =	simm.s32 @!p0 $0x1082;
	s9 =	sld [smem:$0x3FB3]  }
0x2f: {  	lr =	sadd.s32 s0, s3;
	s0 =	sld [smem:$0x3FAA]  }
0x30: {  	s3 =	sld [smem:$0x3FAD]  }
0x31: {  	[smem:$0x3FB6] =	sst s10  }
0x32: {  	s10 =	sld [smem:$0x3FB4];
	_ =	sdelay $0x3  }
0x33: {  	p0 =	seq.s32 s10, $0x1;
	s10 =	sld [smem:$0x3FB6];
	_ =	sdelay $0x3  }
0x34: {  	[smem:$0x3FB6] =	sst s10  }
0x35: {  	s10 =	sld [smem:$0x3FB5];
	_ =	sdelay $0x3  }
0x36: {  	p1 =	seq.s32 s10, $0x1;
	s10 =	sld [smem:$0x3FB6];
	_ =	sdelay $0x3  }
0x37: {  	[smem:$0x3FB6] =	sst s10  }
0x38: {  	s10 =	sld [smem:$0x3FB7]  }
0x39: {  	_ = 	snop;
	(pc) =	sbr.ind lr, $3  }
0x3a: {  	_ = 	snop  }
0x3b: {  	_ = 	snop  }
0x3c: {  	p2 =	seq.s32 s10, $0x1;
	s10 =	sld [smem:$0x3FB6]  }
0x3d: {  	_ =	shalt  }
0x3e: {  	_ =	shalt  }
0x3f: {  	_ =	shalt  }
0x40: {  	_ =	shalt  }
0x41: {  	_ =	shalt  }
0x42: {  	_ =	shalt  }
0x43: {  	_ =	shalt  }
0x44: {  	_ =	shalt  }
0x45: {  	_ =	shalt  }
0x46: {  	_ =	shalt  }
0x47: {  	_ =	shalt  }
0x48: {  	_ =	shalt  }
0x49: {  	_ =	shalt  }
0x4a: {  	_ =	shalt  }
0x4b: {  	_ =	shalt  }
0x4c: {  	_ =	shalt  }
0x4d: {  	_ =	shalt  }
0x4e: {  	_ =	shalt  }
0x4f: {  	_ =	shalt  }
0x50: {  	_ =	shalt  }
0x51: {  	_ =	shalt  }
0x52: {  	_ =	shalt  }
0x53: {  	_ =	shalt  }
0x54: {  	_ =	shalt  }
0x55: {  	_ =	shalt  }
0x56: {  	_ =	shalt  }
0x57: {  	_ =	shalt  }
0x58: {  	_ =	shalt  }
0x59: {  	_ =	shalt  }
0x5a: {  	_ =	shalt  }
0x5b: {  	_ =	shalt  }
0x5c: {  	_ =	shalt  }
0x5d: {  	_ =	shalt  }
0x5e: {  	_ =	shalt  }
0x5f: {  	_ =	shalt  }
0x60: {  	_ =	shalt  }
0x61: {  	_ =	shalt  }
0x62: {  	_ =	shalt  }
0x63: {  	_ =	shalt  }
0x64: {  	_ =	shalt  }
0x65: {  	_ =	shalt  }
0x66: {  	_ =	shalt  }
0x67: {  	_ =	shalt  }
0x68: {  	_ =	shalt  }
0x69: {  	_ =	shalt  }
0x6a: {  	_ =	shalt  }
0x6b: {  	_ =	shalt  }
0x6c: {  	_ =	shalt  }
0x6d: {  	_ =	shalt  }
0x6e: {  	_ =	shalt  }
0x6f: {  	_ =	shalt  }
0x70: {  	_ =	shalt  }
0x71: {  	_ =	shalt  }
0x72: {  	_ =	shalt  }
0x73: {  	_ =	shalt  }
0x74: {  	_ =	shalt  }
0x75: {  	_ =	shalt  }
0x76: {  	_ =	shalt  }
0x77: {  	_ =	shalt  }
0x78: {  	_ =	shalt  }
0x79: {  	_ =	shalt  }
0x7a: {  	_ =	shalt  }
0x7b: {  	_ =	shalt  }
0x7c: {  	_ =	shalt  }
0x7d: {  	_ =	shalt  }
0x7e: {  	_ =	shalt  }
0x7f: {  	_ =	shalt  }
0x80: {  	_ =	shalt  }
0x81: {  	_ =	shalt  }
0x82: {  	_ =	shalt  }
0x83: {  	_ =	shalt  }
0x84: {  	_ =	shalt  }
0x85: {  	_ =	shalt  }
0x86: {  	_ =	shalt  }
0x87: {  	_ =	shalt  }
.Lfunc_end0:
.L_simem_size_0:
called_computation.2_lowered:
.L_overlay_start_0:
0x88: {  	s2 =	sld [smem:$0x3FD9]  }
0x89: {  	s3 =	sld [smem:$0x3FFE];
	_ =	sdelay $0x1  }
0x8a: {  	s1 =	srdreg.scid  }
0x8b: {  	s0 =	sand.u32 $0x1, s1  }
0x8c: {  	s17 =	sshll.u32 s0, $0xA;
	s2 =	sadd.s32 s3, s2  }
0x8d: {  	s2 =	sadd.s32 s2, s17  }
0x8e: {  	[smem:$0x3FC2] =	sst s2  }
0x8f: {  	_ = 	snop  }
0x90: {  	s2 =	sld [smem:$0x3FD0];
	(tm) =	ssettm $0x1  }
0x91: {  	s18 =	sld [smem:$0x3FFB];
	_ =	sdelay $0x3  }
0x92: {  	_ =	strace s18  }
0x93: {  	s3 =	sld [smem:$0x3FFC];
	_ =	sdelay $0x3  }
0x94: {  	_ =	strace s3  }
0x95: {  	s3 =	sld [smem:$0x3FFD];
	_ =	sdelay $0x3  }
0x96: {  	_ =	strace s3  }
0x97: {  	_ =	strace $0x8FFFFFFF  }
0x98: {  	s19 =	sld [smem:$0x3FDB];
	_ =	sdelay $0x1  }
0x99: {  	s4 =	simm.s32 $_scs_section_size  }
0x9a: {  	s5 =	simm.s32 $_size__tile_overlayer_lowered;
	s6 =	simm.s32 $_tile_overlayer_lowered  }
0x9b: {  	s22 =	simm.s32 $0x1BFF;
	s21 =	sshll.u32 s6, $0x1;
	s3 =	sadd.s32 s4, s19  }
0x9c: {  	s7 =	simm.s32 $0x0;
	s20 =	sshll.u32 s5, $0x1;
	s5 =	sadd.s32 s21, s3  }
0x9d: {  	[timem:s7], [sflag:s22] =	dma.local [hbm:s5], s20  }
0x9e: {  	_ =	swait.ge [sflag:s22], s20  }
0x9f: {  	s4 =	ssub.s32 $0x0, s20;
	[sflag:s22] =	ssyncset.done $0x0  }
0xa0: {  	[sflag:s22] =	ssyncadd.s32 s4;
	_ =	sdelay $0x1  }
0xa1: {  	s23 =	simm.s32 $0x1B8B  }
0xa2: {  	_ =	swait.ge [sflag:s23], $0x1  }
0xa3: {  	[sflag:s23] =	ssyncset.done $0x0  }
0xa4: {  	s25 =	simm.s32 $0x1B8E;
	s24 =	sld [smem:$0x3FFE];
	[sflag:s23] =	ssyncadd.s32 $0xFFFFFFFF  }
0xa5: {  	s26 =	simm.s32 $execute0_lowered;
	[smem:$0x3FD2] =	sst s25  }
0xa6: {  	s5 =	sshll.u32 s26, $0x1;
	_ =	strace $0x8000004C;
	[dreg:$0x1] =	wrdreg $0xFFFFFFFF  }
0xa7: {  	s28 =	simm.s32 $_size_execute0_lowered;
	s3 =	sadd.s32 s3, s5;
	[dreg:$0x0] =	wrdreg $0x0  }
0xa8: {  	s5 =	sshll.u32 s28, $0x1;
	[dreg:$0x2] =	wrdreg s3  }
0xa9: {  	[dreg:$0x3] =	wrdreg s5  }
0xaa: {  	[dreg:$0x4] =	wrdreg $0xC0  }
0xab: {  	_ =	task [dreg:s7], $0x5FFFF  }
0xac: {  	[dreg:$0x1] =	wrdreg $0xFFFFFFFF  }
0xad: {  	[dreg:$0x0] =	wrdreg $0x60  }
0xae: {  	[dreg:$0x2] =	wrdreg s24  }
0xaf: {  	[dreg:$0x3] =	wrdreg s2  }
0xb0: {  	[dreg:$0x4] =	wrdreg $0x82000  }
0xb1: {  	[dreg:$0x5] =	wrdreg $0x9  }
0xb2: {  	_ =	task.clear_ibuf [dreg:s7], $0x6FFFF;
	_ =	strace $0x9000004C  }
0xb3: {  	s29 =	simm.s32 $0x9;
	_ =	strace $0x8000004E  }
0xb4: {  	_ =	swait.ge [sflag:s29], $0x1  }
0xb5: {  	[sflag:s29] =	ssyncadd.s32 $0xFFFFFFFF  }
0xb6: {  	_ =	strace $0x9000004E  }
0xb7: {  	_ =	sfence  }
0xb8: {  	s30 =	sld [smem:$0x0];
	_ =	sdelay $0x2  }
0xb9: {  	s31 =	sshll.u32 s1, $0xD;
	s1 =	sshrl.u32 s1, $0x2  }
0xba: {  	s3 =	sand.u32 $0x4000, s31;
	s1 =	sadd.s32 s1, s30  }
0xbb: {  	s0 =	sor.u32 s3, s0;
	s1 =	sshll.u32 s1, $0x11  }
0xbc: {  	s0 =	sor.u32 s1, s0  }
0xbd: {  	s0 =	sadd.s32 $0x8F2B, s0  }
0xbe: {  	[sflag:s0] =	ssyncadd.remote.s32 $0x1  }
0xbf: {  	_ =	sfence.sel $0xFFFF  }
0xc0: {  	[dreg:$0x0] =	wrdreg $0xFFFFFFFF;
	(pc) =	sbr.abs _section_cstart, $3  }
0xc1: {  	[dreg:$0x1] =	wrdreg $0xFFFFFFFF  }
0xc2: {  	_ =	task.clear_ibuf [dreg:s7], $0x2FFFF;
	_ =	strace $0x9FFFFFFF  }
0xc3: {  	(tm) =	ssettm $0x7FFFFFFF  }
tec
execute0_lowered:
.L_overlay_start_1:
0x0: {  	(tag) =	ssettag $0x1  }
0x1: {  	s6 =	rddreg [dreg:$0x0]  }
0x2: {  	s1 =	rddreg [dreg:$0x1]  }
0x3: {  	s2 =	rddreg [dreg:$0x2]  }
0x4: {  	s0 =	rddreg [dreg:$0x3];
	s4 =	simm.s32 $0x0;
	s3 =	srdreg.scid  }
0x5: {  	s16 =	simm.s32 $0x1;
	s17 =	simm.s32 $0x80;
	s7 =	sand.u32 $0x1, s3  }
0x6: {  	s18 =	simm.s32 $0x200;
	s3 =	stileid.u32;
	s8 =	smul.u32 $0x140000, s7  }
0x7: {  	s19 =	simm.s32 $0x2;
	s20 =	simm.s32 $0x3;
	s9 =	smul.u32 $0x14000, s3  }
0x8: {  	[smem:$0x7FF] =	sst s4;
	s5 =	sadd.s32 $0x67200, s6;
	s22 =	smul.u32 $0x50000, s3  }
0x9: {  	s12 =	sadd.s32 $0x3200, s6;
	_ =	strace $0x8000004D;
	s24 =	smul.u32 $0xA000, s3  }
0xa: {  	s10 =	sshll.u32 s3, $0x1;
	s11 =	ssub.s32 $0x2, s7;
	s26 =	smul.u32 $0x5000, s7  }
0xb: {  	s28 =	sshll.u32 s3, $0x6;
	s21 =	sor.u32 s7, s10;
	s23 =	sshrl.u32 s11, $0x1  }
0xc: {  	s8 =	sadd.s32 s9, s8;
	s9 =	smul.u32 $0x5000, s21;
	s11 =	ssub.s32 s11, s23  }
0xd: {  	s25 =	sshrl.u32 s22, $0x2;
	s30 =	sadd.s32 s26, s24;
	s21 =	simm.s32 $0x4200  }
0xe: {  	s22 =	simm.s32 $0x4;
	s23 =	simm.s32 $0x180;
	s24 =	simm.s32 $0x0  }
0xf: {  	s8 =	sshrl.u32 s8, $0x3;
	s14 =	sadd.s32 s25, s2;
	s10 =	sor.u32 $0x300, s30  }
0x10: {  	s15 =	sor.u32 $0x200, s30;
	s13 =	sadd.s32 s8, s6;
	s29 =	sshrl.u32 s9, $0x3  }
0x11: {  	s6 =	sor.u32 $0x1C05, s28;
	s31 =	sshrl.u32 s10, $0x3;
	s15 =	sshrl.u32 s15, $0x3  }
0x12: {  	s10 =	smax.u32 s11, $0x1;
	s7 =	sadd.s32 s12, s29;
	s9 =	sadd.s32 $0x8F200, s13  }
0x13: {  	s11 =	sadd.s32 s31, s12;
	s12 =	sadd.s32 s15, s12;
	s13 =	sshrl.u32 s14, $0x3  }
0x14: {  	s14 =	simm.s32 $0x5;
	s15 =	simm.s32 $0x100;
	s8 =	sadd.s32 $0x20, s7  }
.LBB2_1:
0x15: {  	[spmem:s13], [sflag:s6] =	dma.local [hbm:s1], $0x2800  }
0x16: {  	_ =	swait.ge [sflag:s14], $0x2800  }
0x17: {  	[sflag:s14] =	ssyncset.done $0x0  }
0x18: {  	[sflag:s14] =	ssyncadd.s32 $0xFFFFD800  }
0x19: {  	[bflag:$0x0] =	sbarrier.arrive $0xFFFF  }
0x1a: {  	[tilespmem:s4], [sflag:$0x1] =	stream.linear.gather [hbm4b:s7+s4], $0x100, $0x38;
	[tilespmem:$0x1C200] =	vst v63  }
0x1b: {  	_ = 	snop  }
0x1c: {  	[tilespmem:s15], [sflag:$0x2] =	stream.linear.gather [hbm4b:s8+s4], $0x100, $0x38;
	[tilespmem:$0x1C200] =	vst v63  }
0x1d: {  	_ =	swait.ge [sflag:s16], $0x100  }
0x1e: {  	[sflag:s16] =	ssyncset.done $0x0  }
0x1f: {  	[sflag:s16] =	ssyncadd.s32 $0xFFFFFF00  }
0x20: {  	[tilespmem:s18], [sflag:$0x3] =	stream.indirect.gather [hbm4b:s5+s17], $0x80, s4, s17, $0xb8;
	[tilespmem:$0x1C200] =	vst v63  }
0x21: {  	_ =	swait.ge [sflag:s19], $0x100  }
0x22: {  	[sflag:s19] =	ssyncset.done $0x0  }
0x23: {  	[sflag:s19] =	ssyncadd.s32 $0xFFFFFF00  }
0x24: {  	_ =	swait.ge [sflag:s20], $0x4000  }
0x25: {  	[sflag:s20] =	ssyncset.done $0x0  }
0x26: {  	[sflag:s20] =	ssyncadd.s32 $0xFFFFC000  }
0x27: {  	[tilespmem:s21], [sflag:$0x4] =	stream.indirect.gather [hbm4b:s5+s17], $0x80, s15, s17, $0xb8;
	[tilespmem:$0x1C200] =	vst v63  }
0x28: {  	_ = 	snop  }
0x29: {  	[spmem:s2] =	stream.indirect.scatter.add.f32 [tilespmem:s18], [sflag:$0x5], $0x80, s17, s17, $0xb8;
	[tilespmem:$0x1C200] =	vst v63  }
0x2a: {  	_ =	swait.ge [sflag:s14], $0x4000  }
0x2b: {  	[sflag:s14] =	ssyncset.done $0x0  }
0x2c: {  	s25 =	sadd.s32 $0x0, s12;
	[sflag:s14] =	ssyncadd.s32 $0xFFFFC000  }
0x2d: {  	[tilespmem:s4], [sflag:$0x1] =	stream.linear.gather [hbm4b:s25+s4], $0x100, $0x38;
	[tilespmem:$0x1C200] =	vst v63  }
0x2e: {  	_ =	swait.ge [sflag:s22], $0x4000  }
0x2f: {  	[sflag:s22] =	ssyncset.done $0x0  }
0x30: {  	[sflag:s22] =	ssyncadd.s32 $0xFFFFC000  }
0x31: {  	_ =	swait.ge [sflag:s16], $0x100  }
0x32: {  	[sflag:s16] =	ssyncset.done $0x0  }
0x33: {  	[sflag:s16] =	ssyncadd.s32 $0xFFFFFF00  }
0x34: {  	[tilespmem:s18], [sflag:$0x3] =	stream.indirect.gather [hbm4b:s5+s17], $0x80, s4, s17, $0xb8;
	[tilespmem:$0x1C200] =	vst v63  }
0x35: {  	_ = 	snop  }
0x36: {  	[spmem:s2] =	stream.indirect.scatter.add.f32 [tilespmem:s21], [sflag:$0x5], $0x80, s23, s17, $0xb8;
	[tilespmem:$0x1C200] =	vst v63  }
0x37: {  	_ =	swait.ge [sflag:s14], $0x4000  }
0x38: {  	[sflag:s14] =	ssyncset.done $0x0  }
0x39: {  	s26 =	sadd.s32 $0x0, s11;
	s25 =	simm.s32 $0x40;
	[sflag:s14] =	ssyncadd.s32 $0xFFFFC000  }
.LBB2_2:
0x3a: {  	[tilespmem:s15], [sflag:$0x2] =	stream.linear.gather [hbm4b:s26+s4], $0x100, $0x38;
	[tilespmem:$0x1C200] =	vst v63  }
0x3b: {  	s26 =	smov.u32 s25  }
0x3c: {  	p0 =	sne.s32 s25, $0x980;
	s25 =	sadd.s32 $0x40, s25;
	_ =	swait.ge [sflag:s19], $0x100  }
0x3d: {  	[sflag:s19] =	ssyncset.done $0x0  }
0x3e: {  	[sflag:s19] =	ssyncadd.s32 $0xFFFFFF00  }
0x3f: {  	_ =	swait.ge [sflag:s20], $0x4000  }
0x40: {  	[sflag:s20] =	ssyncset.done $0x0  }
0x41: {  	[sflag:s20] =	ssyncadd.s32 $0xFFFFC000  }
0x42: {  	[tilespmem:s21], [sflag:$0x4] =	stream.indirect.gather [hbm4b:s5+s17], $0x80, s15, s17, $0xb8;
	[tilespmem:$0x1C200] =	vst v63  }
0x43: {  	_ = 	snop  }
0x44: {  	[spmem:s2] =	stream.indirect.scatter.add.f32 [tilespmem:s18], [sflag:$0x5], $0x80, s17, s17, $0xb8;
	[tilespmem:$0x1C200] =	vst v63  }
0x45: {  	_ =	swait.ge [sflag:s14], $0x4000  }
0x46: {  	[sflag:s14] =	ssyncset.done $0x0  }
0x47: {  	s28 =	sadd.s32 s26, s12;
	[sflag:s14] =	ssyncadd.s32 $0xFFFFC000  }
0x48: {  	[tilespmem:s4], [sflag:$0x1] =	stream.linear.gather [hbm4b:s28+s4], $0x100, $0x38;
	[tilespmem:$0x1C200] =	vst v63  }
0x49: {  	_ =	swait.ge [sflag:s22], $0x4000  }
0x4a: {  	[sflag:s22] =	ssyncset.done $0x0  }
0x4b: {  	[sflag:s22] =	ssyncadd.s32 $0xFFFFC000  }
0x4c: {  	_ =	swait.ge [sflag:s16], $0x100  }
0x4d: {  	[sflag:s16] =	ssyncset.done $0x0  }
0x4e: {  	[sflag:s16] =	ssyncadd.s32 $0xFFFFFF00  }
0x4f: {  	[tilespmem:s18], [sflag:$0x3] =	stream.indirect.gather [hbm4b:s5+s17], $0x80, s4, s17, $0xb8;
	[tilespmem:$0x1C200] =	vst v63  }
.Ltmp0:
0x50: {  	(pc) =	sbr.rel @p0 .LBB2_2-.Ltmp0, $4  }
0x51: {  	[spmem:s2] =	stream.indirect.scatter.add.f32 [tilespmem:s21], [sflag:$0x5], $0x80, s23, s17, $0xb8;
	[tilespmem:$0x1C200] =	vst v63  }
0x52: {  	_ =	swait.ge [sflag:s14], $0x4000  }
0x53: {  	[sflag:s14] =	ssyncset.done $0x0  }
0x54: {  	s26 =	sadd.s32 s26, s11;
	[sflag:s14] =	ssyncadd.s32 $0xFFFFC000  }
0x55: {  	[tilespmem:s15], [sflag:$0x2] =	stream.linear.gather [hbm4b:s26+s4], $0x100, $0x38;
	[tilespmem:$0x1C200] =	vst v63  }
0x56: {  	_ =	swait.ge [sflag:s19], $0x100  }
0x57: {  	[sflag:s19] =	ssyncset.done $0x0  }
0x58: {  	[sflag:s19] =	ssyncadd.s32 $0xFFFFFF00  }
0x59: {  	_ =	swait.ge [sflag:s20], $0x4000  }
0x5a: {  	[sflag:s20] =	ssyncset.done $0x0  }
0x5b: {  	[sflag:s20] =	ssyncadd.s32 $0xFFFFC000  }
0x5c: {  	[tilespmem:s21], [sflag:$0x4] =	stream.indirect.gather [hbm4b:s5+s17], $0x80, s15, s17, $0xb8;
	[tilespmem:$0x1C200] =	vst v63  }
0x5d: {  	_ = 	snop  }
0x5e: {  	[spmem:s2] =	stream.indirect.scatter.add.f32 [tilespmem:s18], [sflag:$0x5], $0x80, s17, s17, $0xb8;
	[tilespmem:$0x1C200] =	vst v63  }
0x5f: {  	_ =	swait.ge [sflag:s14], $0x4000  }
0x60: {  	[sflag:s14] =	ssyncset.done $0x0  }
0x61: {  	[sflag:s14] =	ssyncadd.s32 $0xFFFFC000  }
0x62: {  	_ =	swait.ge [sflag:s22], $0x4000  }
0x63: {  	[sflag:s22] =	ssyncset.done $0x0  }
0x64: {  	[sflag:s22] =	ssyncadd.s32 $0xFFFFC000  }
0x65: {  	[spmem:s2] =	stream.indirect.scatter.add.f32 [tilespmem:s21], [sflag:$0x5], $0x80, s23, s17, $0xb8;
	[tilespmem:$0x1C200] =	vst v63  }
0x66: {  	_ =	swait.ge [sflag:s14], $0x4000  }
0x67: {  	s24 =	sadd.s32 $0x1, s24;
	[sflag:s14] =	ssyncset.done $0x0  }
0x68: {  	p0 =	sne.s32 s24, s10;
	[sflag:s14] =	ssyncadd.s32 $0xFFFFC000  }
.Ltmp1:
0x69: {  	[bflag:$0x0] =	sbarrier.arrive $0xFFFF;
	(pc) =	sbr.rel @p0 .LBB2_1-.Ltmp1, $4  }
0x6a: {  	[hbm:s9], [sflag:s6] =	dma.local [spmem:s13], $0x2800  }
0x6b: {  	_ =	swait.ge [sflag:s14], $0x2800  }
0x6c: {  	[sflag:s14] =	ssyncset.done $0x0  }
0x6d: {  	[sflag:s14] =	ssyncadd.s32 $0xFFFFD800  }
0x6e: {  	_ =	sfence.sel $0x180000  }
0x6f: {  	[bflag:$0x0] =	sbarrier.arrive $0xFFFF  }
0x70: {  	p0 =	sne.s32 s3, $0x0;
	_ =	strace $0x9000004D  }
0x71: {  	s0 =	sadd.s32 @!p0 $0x100000, s0;
	[bflag:$0x2] =	sbarrier.arrive $0xFFFF  }
0x72: {  	[sflag:s0] =	ssyncadd.tile.s32 @!p0 $0x1;
	_ =	shalt  }
.Lfunc_end2:
_tile_overlayer_lowered:
.L_overlay_start_2:
0x73: {  	(tag) =	ssettag $0x2  }
0x74: {  	s0 =	rddreg [dreg:$0x0];
	s2 =	stileid.u32  }
0x75: {  	s1 =	rddreg [dreg:$0x1];
	p0 =	sne.s32 s2, $0x0  }
0x76: {  	s3 =	rddreg [dreg:$0x2];
	[bflag:$0x3] =	sbarrier.arrive $0xFFFF;
	s2 =	simm.s32 @!p0 $0x1C05  }
0x77: {  	[timem:s3], [sflag:s2] =	dma.local @!p0 [hbm:s0], s1  }
0x78: {  	s0 =	simm.s32 @!p0 $0x5  }
0x79: {  	_ =	swait.ge @!p0 [sflag:s0], s1  }
0x7a: {  	s1 =	ssub.s32 @!p0 $0x0, s1;
	[sflag:s0] =	ssyncset.done @!p0 $0x0  }
0x7b: {  	[sflag:s0] =	ssyncadd.s32 @!p0 s1  }
0x7c: {  	[bflag:$0x3] =	sbarrier.arrive $0xFFFF  }
0x7d: {  	_ =	shalt  }

// kernel: kernel.8.cloned.1.call-start
scs
__scs_entry_jumppad:
0x0: {  	(pc) =	sbr.rel $0x88, $3  }
0x1: {  	(tag) =	ssettag $0x0;
	lr =	simm.s32 $0x1  }
0x2: {  	[smem:$0x3F9B] =	sst lr;
	_ =	strace $0xD0000000  }
0x3: {  	_ = 	snop  }
0x4: {  	_ = 	snop  }
0x5: {  	_ = 	snop  }
0x6: {  	_ = 	snop  }
0x7: {  	_ = 	snop  }
__scs_overlays_trampoline_lowered:
0x8: {  	[smem:$0x3FAA] =	sst s0  }
0x9: {  	[smem:$0x3FAB] =	sst s1  }
0xa: {  	[smem:$0x3FAC] =	sst s2  }
0xb: {  	[smem:$0x3FAD] =	sst s3  }
0xc: {  	[smem:$0x3FAE] =	sst s4  }
0xd: {  	[smem:$0x3FAF] =	sst s5  }
0xe: {  	[smem:$0x3FB0] =	sst s6  }
0xf: {  	[smem:$0x3FB1] =	sst s7  }
0x10: {  	[smem:$0x3FB2] =	sst s8  }
0x11: {  	[smem:$0x3FB3] =	sst s9;
	s0 =	simm.s32 @!p0 $0x0  }
0x12: {  	s1 =	sld [smem:$0x3F99];
	s0 =	simm.s32 @p0 $0x1  }
0x13: {  	[smem:$0x3FB4] =	sst s0;
	s0 =	simm.s32 @!p1 $0x0  }
0x14: {  	s2 =	sld [smem:$0x3F98];
	s0 =	simm.s32 @p1 $0x1  }
0x15: {  	[smem:$0x3FB5] =	sst s0;
	s0 =	simm.s32 @!p2 $0x0  }
0x16: {  	s3 =	sld [smem:$0x3FDB];
	s0 =	simm.s32 @p2 $0x1  }
0x17: {  	s4 =	simm.s32 $0x1BF5;
	[smem:$0x3FB7] =	sst s0  }
0x18: {  	s0 =	sld [smem:$0x3F9A];
	_ =	swait.ge [sflag:s4], $0x0  }
0x19: {  	s7 =	sld [smem:$0x3F9B]  }
0x1a: {  	s8 =	sadd.s32 $0xFFFFE003, lr  }
0x1b: {  	s9 =	sadd.s32 $0xFFFFFEF7, lr;
	s5 =	simm.s32 $0xFFFFFFFF;
	p2 =	slt.u32 s8, $0xFFFFF086  }
0x1c: {  	p1 =	slt.u32 s9, $0xF7A;
	s5 =	simm.s32 @!p2 $0x0  }
0x1d: {  	s5 =	simm.s32 @p1 $0x1;
	p0 =	seq.s32 s7, s2  }
0x1e: {  	s7 =	smul.u32 @!p0 $0xF7A, s2;
	p2 =	seq.s32 @!p0 s5, $0x0  }
0x1f: {  	s9 =	smul.u32 $0xF7A, s1;
	s8 =	simm.s32 @!p0 $0x1BF5;
	p2 =	por !p2, p0  }
0x20: {  	[sflag:s8] =	ssyncset.s32 @!p0 $0xFFFFF086;
	s6 =	sadd.s32 @!p0 s3, s7;
	s7 =	simm.s32 @!p0 $0x108  }
0x21: {  	s3 =	sadd.s32 s3, s9;
	s6 =	sadd.s32 @!p0 $0x88, s6;
	s7 =	simm.s32 @p2 $0x1082  }
0x22: {  	[simem:s7], [sflag:s8] =	dma.local @!p0 [hbm:s6], $0xF7A  }
0x23: {  	s9 =	sor.u32 $0xD0000000, s2;
	s6 =	simm.s32 $0x108;
	_ =	swait.ge @!p0 [sflag:s8], $0x0  }
0x24: {  	s3 =	sadd.s32 $0x88, s3;
	s6 =	simm.s32 @!p1 $0x1082;
	[sflag:s4] =	ssyncset.s32 $0xFFFFF086  }
0x25: {  	[simem:s6], [sflag:s4] =	dma.local [hbm:s3], $0xF7A  }
0x26: {  	[smem:$0x3F9B] =	sst s1;
	(tag) =	ssettag s2;
	_ =	strace s9  }
0x27: {  	s1 =	sld [smem:$0x3FAB]  }
0x28: {  	s2 =	sld [smem:$0x3FAC]  }
0x29: {  	s4 =	sld [smem:$0x3FAE]  }
0x2a: {  	p0 =	seq.s32 s5, $0x0;
	s5 =	sld [smem:$0x3FAF]  }
0x2b: {  	s6 =	sld [smem:$0x3FB0]  }
0x2c: {  	s7 =	sld [smem:$0x3FB1]  }
0x2d: {  	s3 =	simm.s32 $0x108;
	s8 =	sld [smem:$0x3FB2]  }
0x2e: {  	s3 =	simm.s32 @!p0 $0x1082;
	s9 =	sld [smem:$0x3FB3]  }
0x2f: {  	lr =	sadd.s32 s0, s3;
	s0 =	sld [smem:$0x3FAA]  }
0x30: {  	s3 =	sld [smem:$0x3FAD]  }
0x31: {  	[smem:$0x3FB6] =	sst s10  }
0x32: {  	s10 =	sld [smem:$0x3FB4];
	_ =	sdelay $0x3  }
0x33: {  	p0 =	seq.s32 s10, $0x1;
	s10 =	sld [smem:$0x3FB6];
	_ =	sdelay $0x3  }
0x34: {  	[smem:$0x3FB6] =	sst s10  }
0x35: {  	s10 =	sld [smem:$0x3FB5];
	_ =	sdelay $0x3  }
0x36: {  	p1 =	seq.s32 s10, $0x1;
	s10 =	sld [smem:$0x3FB6];
	_ =	sdelay $0x3  }
0x37: {  	[smem:$0x3FB6] =	sst s10  }
0x38: {  	s10 =	sld [smem:$0x3FB7]  }
0x39: {  	_ = 	snop;
	(pc) =	sbr.ind lr, $3  }
0x3a: {  	_ = 	snop  }
0x3b: {  	_ = 	snop  }
0x3c: {  	p2 =	seq.s32 s10, $0x1;
	s10 =	sld [smem:$0x3FB6]  }
0x3d: {  	_ =	shalt  }
0x3e: {  	_ =	shalt  }
0x3f: {  	_ =	shalt  }
0x40: {  	_ =	shalt  }
0x41: {  	_ =	shalt  }
0x42: {  	_ =	shalt  }
0x43: {  	_ =	shalt  }
0x44: {  	_ =	shalt  }
0x45: {  	_ =	shalt  }
0x46: {  	_ =	shalt  }
0x47: {  	_ =	shalt  }
0x48: {  	_ =	shalt  }
0x49: {  	_ =	shalt  }
0x4a: {  	_ =	shalt  }
0x4b: {  	_ =	shalt  }
0x4c: {  	_ =	shalt  }
0x4d: {  	_ =	shalt  }
0x4e: {  	_ =	shalt  }
0x4f: {  	_ =	shalt  }
0x50: {  	_ =	shalt  }
0x51: {  	_ =	shalt  }
0x52: {  	_ =	shalt  }
0x53: {  	_ =	shalt  }
0x54: {  	_ =	shalt  }
0x55: {  	_ =	shalt  }
0x56: {  	_ =	shalt  }
0x57: {  	_ =	shalt  }
0x58: {  	_ =	shalt  }
0x59: {  	_ =	shalt  }
0x5a: {  	_ =	shalt  }
0x5b: {  	_ =	shalt  }
0x5c: {  	_ =	shalt  }
0x5d: {  	_ =	shalt  }
0x5e: {  	_ =	shalt  }
0x5f: {  	_ =	shalt  }
0x60: {  	_ =	shalt  }
0x61: {  	_ =	shalt  }
0x62: {  	_ =	shalt  }
0x63: {  	_ =	shalt  }
0x64: {  	_ =	shalt  }
0x65: {  	_ =	shalt  }
0x66: {  	_ =	shalt  }
0x67: {  	_ =	shalt  }
0x68: {  	_ =	shalt  }
0x69: {  	_ =	shalt  }
0x6a: {  	_ =	shalt  }
0x6b: {  	_ =	shalt  }
0x6c: {  	_ =	shalt  }
0x6d: {  	_ =	shalt  }
0x6e: {  	_ =	shalt  }
0x6f: {  	_ =	shalt  }
0x70: {  	_ =	shalt  }
0x71: {  	_ =	shalt  }
0x72: {  	_ =	shalt  }
0x73: {  	_ =	shalt  }
0x74: {  	_ =	shalt  }
0x75: {  	_ =	shalt  }
0x76: {  	_ =	shalt  }
0x77: {  	_ =	shalt  }
0x78: {  	_ =	shalt  }
0x79: {  	_ =	shalt  }
0x7a: {  	_ =	shalt  }
0x7b: {  	_ =	shalt  }
0x7c: {  	_ =	shalt  }
0x7d: {  	_ =	shalt  }
0x7e: {  	_ =	shalt  }
0x7f: {  	_ =	shalt  }
0x80: {  	_ =	shalt  }
0x81: {  	_ =	shalt  }
0x82: {  	_ =	shalt  }
0x83: {  	_ =	shalt  }
0x84: {  	_ =	shalt  }
0x85: {  	_ =	shalt  }
0x86: {  	_ =	shalt  }
0x87: {  	_ =	shalt  }
.Lfunc_end0:
.L_simem_size_0:
called_computation_lowered:
.L_overlay_start_0:
0x88: {  	s2 =	sld [smem:$0x3FD9]  }
0x89: {  	s3 =	sld [smem:$0x3FFE];
	_ =	sdelay $0x1  }
0x8a: {  	s1 =	srdreg.scid  }
0x8b: {  	s0 =	sand.u32 $0x1, s1  }
0x8c: {  	s17 =	sshll.u32 s0, $0xA;
	s2 =	sadd.s32 s3, s2  }
0x8d: {  	s2 =	sadd.s32 s2, s17  }
0x8e: {  	[smem:$0x3FC2] =	sst s2  }
0x8f: {  	_ = 	snop  }
0x90: {  	s2 =	sld [smem:$0x3FD0];
	(tm) =	ssettm $0x1  }
0x91: {  	s18 =	sld [smem:$0x3FFB];
	_ =	sdelay $0x3  }
0x92: {  	_ =	strace s18  }
0x93: {  	s3 =	sld [smem:$0x3FFC];
	_ =	sdelay $0x3  }
0x94: {  	_ =	strace s3  }
0x95: {  	s3 =	sld [smem:$0x3FFD];
	_ =	sdelay $0x3  }
0x96: {  	_ =	strace s3  }
0x97: {  	_ =	strace $0x8FFFFFFF  }
0x98: {  	s19 =	sld [smem:$0x3FDB];
	_ =	sdelay $0x1  }
0x99: {  	s4 =	simm.s32 $_scs_section_size  }
0x9a: {  	s5 =	simm.s32 $_size__tile_overlayer_lowered;
	s6 =	simm.s32 $_tile_overlayer_lowered  }
0x9b: {  	s22 =	simm.s32 $0x1BFF;
	s21 =	sshll.u32 s6, $0x1;
	s3 =	sadd.s32 s4, s19  }
0x9c: {  	s7 =	simm.s32 $0x0;
	s20 =	sshll.u32 s5, $0x1;
	s5 =	sadd.s32 s21, s3  }
0x9d: {  	[timem:s7], [sflag:s22] =	dma.local [hbm:s5], s20  }
0x9e: {  	_ =	swait.ge [sflag:s22], s20  }
0x9f: {  	s4 =	ssub.s32 $0x0, s20;
	[sflag:s22] =	ssyncset.done $0x0  }
0xa0: {  	[sflag:s22] =	ssyncadd.s32 s4;
	_ =	sdelay $0x1  }
0xa1: {  	s23 =	simm.s32 $0x1B8B  }
0xa2: {  	_ =	swait.ge [sflag:s23], $0x1  }
0xa3: {  	[sflag:s23] =	ssyncset.done $0x0  }
0xa4: {  	s25 =	simm.s32 $0x1B8E;
	s24 =	sld [smem:$0x3FFE];
	[sflag:s23] =	ssyncadd.s32 $0xFFFFFFFF  }
0xa5: {  	s26 =	simm.s32 $execute0_lowered;
	[smem:$0x3FD2] =	sst s25  }
0xa6: {  	s5 =	sshll.u32 s26, $0x1;
	_ =	strace $0x80000046;
	[dreg:$0x1] =	wrdreg $0xFFFFFFFF  }
0xa7: {  	s28 =	simm.s32 $_size_execute0_lowered;
	s3 =	sadd.s32 s3, s5;
	[dreg:$0x0] =	wrdreg $0x0  }
0xa8: {  	s5 =	sshll.u32 s28, $0x1;
	[dreg:$0x2] =	wrdreg s3  }
0xa9: {  	[dreg:$0x3] =	wrdreg s5  }
0xaa: {  	[dreg:$0x4] =	wrdreg $0xC0  }
0xab: {  	_ =	task [dreg:s7], $0x5FFFF  }
0xac: {  	[dreg:$0x1] =	wrdreg $0xFFFFFFFF  }
0xad: {  	[dreg:$0x0] =	wrdreg $0x60  }
0xae: {  	[dreg:$0x2] =	wrdreg s2  }
0xaf: {  	[dreg:$0x3] =	wrdreg s24  }
0xb0: {  	[dreg:$0x4] =	wrdreg $0x28800  }
0xb1: {  	[dreg:$0x5] =	wrdreg $0x9  }
0xb2: {  	_ =	task.clear_ibuf [dreg:s7], $0x6FFFF;
	_ =	strace $0x90000046  }
0xb3: {  	s29 =	simm.s32 $0x9;
	_ =	strace $0x80000048  }
0xb4: {  	_ =	swait.ge [sflag:s29], $0x1  }
0xb5: {  	[sflag:s29] =	ssyncadd.s32 $0xFFFFFFFF  }
0xb6: {  	_ =	strace $0x90000048  }
0xb7: {  	_ =	sfence  }
0xb8: {  	s30 =	sld [smem:$0x0];
	_ =	sdelay $0x2  }
0xb9: {  	s31 =	sshll.u32 s1, $0xD;
	s1 =	sshrl.u32 s1, $0x2  }
0xba: {  	s3 =	sand.u32 $0x4000, s31;
	s1 =	sadd.s32 s1, s30  }
0xbb: {  	s0 =	sor.u32 s3, s0;
	s1 =	sshll.u32 s1, $0x11  }
0xbc: {  	s0 =	sor.u32 s1, s0  }
0xbd: {  	s0 =	sadd.s32 $0x8F2B, s0  }
0xbe: {  	[sflag:s0] =	ssyncadd.remote.s32 $0x1  }
0xbf: {  	_ =	sfence.sel $0xFFFF  }
0xc0: {  	[dreg:$0x0] =	wrdreg $0xFFFFFFFF;
	(pc) =	sbr.abs _section_cstart, $3  }
0xc1: {  	[dreg:$0x1] =	wrdreg $0xFFFFFFFF  }
0xc2: {  	_ =	task.clear_ibuf [dreg:s7], $0x2FFFF;
	_ =	strace $0x9FFFFFFF  }
0xc3: {  	(tm) =	ssettm $0x7FFFFFFF  }
tec
execute0_lowered:
.L_overlay_start_1:
0x0: {  	(tag) =	ssettag $0x1  }
0x1: {  	s6 =	rddreg [dreg:$0x0]  }
0x2: {  	s5 =	rddreg [dreg:$0x1]  }
0x3: {  	s2 =	rddreg [dreg:$0x2]  }
0x4: {  	s0 =	rddreg [dreg:$0x3]  }
0x5: {  	s4 =	srdreg.scid;
	s1 =	stileid.u32;
	s3 =	simm.s32 $0x0  }
0x6: {  	s12 =	simm.s32 $0x2800;
	s13 =	simm.s32 $0x20;
	s14 =	simm.s32 $0x10  }
0x7: {  	s15 =	simm.s32 $0x0;
	s7 =	sand.u32 $0x1, s4;
	s26 =	smul.u32 $0x500, s1  }
0x8: {  	[smem:$0x7FF] =	sst s3;
	s4 =	sadd.s32 $0x2600, s5;
	s9 =	sshll.u32 s1, $0x1  }
0x9: {  	s11 =	smul.u32 $0xA00, s1;
	s31 =	sshll.u32 s1, $0x6;
	s8 =	sshll.u32 s7, $0x7  }
0xa: {  	_ =	strace $0x80000047;
	s10 =	ssub.s32 $0x2, s7;
	s7 =	sor.u32 s7, s9  }
0xb: {  	s8 =	sor.u32 s8, s26;
	s28 =	sshrl.u32 s10, $0x1;
	s7 =	smul.u32 $0x500, s7  }
0xc: {  	s30 =	sshrl.u32 s11, $0x2;
	s8 =	sshrl.u32 s8, $0x3;
	s29 =	ssub.s32 s10, s28  }
0xd: {  	s11 =	sadd.s32 s30, s2;
	s10 =	simm.s32 $0x1;
	s8 =	sadd.s32 s8, s5  }
0xe: {  	s5 =	sor.u32 $0x1C01, s31;
	s6 =	sadd.s32 s6, s7;
	s9 =	sshrl.u32 s11, $0x3  }
0xf: {  	v0 =	vimm.f32 $1.000000000e+00;
	s11 =	simm.s32 $0x80;
	s7 =	sadd.s32 $0x2800, s8;
	s8 =	smax.u32 s29, $0x1  }
.LBB2_1:
0x10: {  	[spmem:s9], [sflag:s5] =	dma.local [hbm:s4], $0x50  }
0x11: {  	_ =	swait.ge [sflag:s10], $0x50  }
0x12: {  	[sflag:s10] =	ssyncset.done $0x0  }
0x13: {  	[sflag:s10] =	ssyncadd.s32 $0xFFFFFFB0  }
0x14: {  	[tilespmem:s3], [sflag:$0x1] =	stream.linear.gather [hbm4b:s6+s3], $0x2800, $0x38;
	[tilespmem:$0x2B00] =	vst v63  }
0x15: {  	_ =	swait.ge [sflag:s10], $0x2800  }
0x16: {  	[sflag:s10] =	ssyncset.done $0x0  }
0x17: {  	[sflag:s10] =	ssyncadd.s32 $0xFFFFD800  }
0x18: {  	[tilespmem:$0x2800] =	vst v0  }
0x19: {  	[tilespmem:$0x2810] =	vst v0  }
0x1a: {  	[tilespmem:$0x2820] =	vst v0  }
0x1b: {  	[tilespmem:$0x2830] =	vst v0  }
0x1c: {  	[tilespmem:$0x2840] =	vst v0  }
0x1d: {  	[tilespmem:$0x2850] =	vst v0  }
0x1e: {  	[tilespmem:$0x2860] =	vst v0  }
0x1f: {  	[tilespmem:$0x2870] =	vst v0  }
0x20: {  	s16 =	simm.s32 $0x0;
	[bflag:$0x0] =	sbarrier.arrive $0xFFFF  }
0x21: {  	[spmem:s2] =	stream.indirect.scatter.add.f32 [tilespmem:s12], [sflag:$0x1], $0x1, s16, s11, $0xb8;
	[tilespmem:$0x2B00] =	vst v63  }
0x22: {  	_ =	swait.ge [sflag:s10], $0x80  }
0x23: {  	s16 =	simm.s32 $0x200;
	[sflag:s10] =	ssyncset.done $0x0  }
.LBB2_2:
0x24: {  	s17 =	sshra.s32 s16, $0x2;
	[sflag:s10] =	ssyncadd.s32 $0xFFFFFF80;
	p0 =	sne.s32 s16, $0x9E00  }
0x25: {  	[spmem:s2] =	stream.indirect.scatter.add.f32 [tilespmem:s12], [sflag:$0x1], $0x1, s17, s11, $0xb8;
	[tilespmem:$0x2B00] =	vst v63  }
.Ltmp0:
0x26: {  	_ = 	snop;
	(pc) =	sbr.rel @p0 .LBB2_2-.Ltmp0, $4  }
0x27: {  	_ = 	snop  }
0x28: {  	s16 =	sadd.s32 $0x200, s16  }
0x29: {  	_ =	swait.ge [sflag:s10], $0x80  }
0x2a: {  	[sflag:s10] =	ssyncset.done $0x0  }
0x2b: {  	s15 =	sadd.s32 $0x1, s15  }
0x2c: {  	[sflag:s10] =	ssyncadd.s32 $0xFFFFFF80;
	p0 =	sne.s32 s15, s8  }
.Ltmp1:
0x2d: {  	[bflag:$0x0] =	sbarrier.arrive $0xFFFF;
	(pc) =	sbr.rel @p0 .LBB2_1-.Ltmp1, $4  }
0x2e: {  	[hbm:s7@s13], [sflag:s5] =	dma.strided [spmem:s9@s14], $0x50, s10, $0x10   }
0x2f: {  	_ =	swait.ge [sflag:s10], $0x50  }
0x30: {  	[sflag:s10] =	ssyncset.done $0x0  }
0x31: {  	[sflag:s10] =	ssyncadd.s32 $0xFFFFFFB0  }
0x32: {  	_ =	sfence.sel $0x180000  }
0x33: {  	[bflag:$0x0] =	sbarrier.arrive $0xFFFF  }
0x34: {  	p0 =	sne.s32 s1, $0x0;
	_ =	strace $0x90000047  }
0x35: {  	s0 =	sadd.s32 @!p0 $0x100000, s0;
	[bflag:$0x2] =	sbarrier.arrive $0xFFFF  }
0x36: {  	[sflag:s0] =	ssyncadd.tile.s32 @!p0 $0x1;
	_ =	shalt  }
.Lfunc_end2:
_tile_overlayer_lowered:
.L_overlay_start_2:
0x37: {  	(tag) =	ssettag $0x2  }
0x38: {  	s0 =	rddreg [dreg:$0x0];
	s2 =	stileid.u32  }
0x39: {  	s1 =	rddreg [dreg:$0x1];
	p0 =	sne.s32 s2, $0x0  }
0x3a: {  	s3 =	rddreg [dreg:$0x2];
	[bflag:$0x3] =	sbarrier.arrive $0xFFFF;
	s2 =	simm.s32 @!p0 $0x1C01  }
0x3b: {  	[timem:s3], [sflag:s2] =	dma.local @!p0 [hbm:s0], s1  }
0x3c: {  	s0 =	simm.s32 @!p0 $0x1  }
0x3d: {  	_ =	swait.ge @!p0 [sflag:s0], s1  }
0x3e: {  	s1 =	ssub.s32 @!p0 $0x0, s1;
	[sflag:s0] =	ssyncset.done @!p0 $0x0  }
0x3f: {  	[sflag:s0] =	ssyncadd.s32 @!p0 s1  }
0x40: {  	[bflag:$0x3] =	sbarrier.arrive $0xFFFF  }
0x41: {  	_ =	shalt  }

</sc_bundles>
